<compile_context>
chip_gen: v7x
topology: tpu7x:2x2x1
jax: 0.10.2.dev20260603
libtpu: 0.0.44.dev20260713+nightly
codegen_flags: <defaults>
</compile_context>

<pallas_src>
import functools

import jax
import jax.numpy as jnp
from jax import lax
from jax.experimental import pallas as pl
from jax.experimental.pallas import tpu as pltpu
from jax.experimental.pallas import tpu_sc as plsc

_SCENE = (256, 256, 32)
_PS = 2
_SX, _SY, _SZ = _SCENE[0] // _PS, _SCENE[1] // _PS, _SCENE[2] // _PS

_C, _H, _W = 128, 96, 320
_HW = _H * _W
_N = _SX * _SY * _SZ
_XS = _SY * _SZ

_NWORKERS = 32
_SL = _N // _NWORKERS
_CPW = _C // _NWORKERS
_PPW = _CPW // 2
_CH = 2048
_NCH = _N // _CH

_mesh = plsc.VectorSubcoreMesh(core_axis_name="c", subcore_axis_name="s")
_params = pltpu.CompilerParams(needs_layout_passes=False,
                               use_tc_tiling_on_sc=False)


@functools.partial(
    pl.kernel,
    out_type=jax.ShapeDtypeStruct((_N,), jnp.int32),
    mesh=_mesh,
    compiler_params=_params,
    scratch_types=[
        pltpu.VMEM((_HW,), jnp.float32),
        pltpu.VMEM((_SL,), jnp.int32),
        pltpu.VMEM((_SL,), jnp.int32),
        pltpu.VMEM((16,), jnp.float32),
        pltpu.VMEM((_SL,), jnp.float32),
        pltpu.VMEM((_SL,), jnp.float32),
        pltpu.VMEM((_SL,), jnp.int32),
    ],
)
def _idx_weight(xs_hbm, ys_hbm, rcp_hbm, fov_hbm, pz_hbm, depth_hbm,
                pk_hbm,
                depth_v, xs_v, ys_v, rcp_v, fov_v, pz_v, pk_v):
    wid = lax.axis_index("s") * 2 + lax.axis_index("c")
    base = wid * _SL
    pltpu.sync_copy(depth_hbm, depth_v)
    pltpu.sync_copy(xs_hbm.at[pl.ds(base, _SL)], xs_v)
    pltpu.sync_copy(ys_hbm.at[pl.ds(base, _SL)], ys_v)
    pltpu.sync_copy(rcp_hbm, rcp_v)
    pltpu.sync_copy(fov_hbm.at[pl.ds(base, _SL)], fov_v)
    pltpu.sync_copy(pz_hbm.at[pl.ds(base, _SL)], pz_v)

    rcp = rcp_v[...]
    iota16 = lax.iota(jnp.int32, 16)

    @plsc.parallel_loop(0, _SL // 16, unroll=2)
    def _(j):
        m = j * 16
        nv = (j // 128) * _XS + ((j % 8) * 16 + iota16) * _SZ + (j // 8) % 16
        x = plsc.load_gather(xs_v, [nv])
        y = plsc.load_gather(ys_v, [nv])
        di = y * _W + x
        xs_ = ((x.astype(jnp.float32) + 0.5) * rcp).astype(jnp.int32)
        ys_ = ((y.astype(jnp.float32) + 0.5) * rcp).astype(jnp.int32)
        d = plsc.load_gather(depth_v, [di])
        t = plsc.load_gather(pz_v, [nv]) - d
        wgt = jnp.exp(t * t * -2.0)
        wgt = jnp.where(d == 0.0, jnp.float32(1.0), wgt)
        wgt = wgt * plsc.load_gather(fov_v, [nv])
        wb = plsc.bitcast(wgt, jnp.int32)
        wb = (wb + 0x8000) & jnp.int32(-65536)
        pk_v[pl.ds(m, 16)] = wb | (ys_ * _W + xs_)

    pltpu.sync_copy(pk_v, pk_hbm.at[pl.ds(base, _SL)])


@functools.partial(
    pl.kernel,
    out_type=jax.ShapeDtypeStruct((_C, _N), jnp.float32),
    mesh=_mesh,
    compiler_params=_params,
    scratch_types=[
        pltpu.VMEM((_HW,), jnp.int32),
        pltpu.VMEM((_HW,), jnp.int32),
        pltpu.VMEM((2, _CH), jnp.int32),
        pltpu.VMEM((2, _CH), jnp.float32),
        pltpu.VMEM((2, _CH), jnp.float32),
        pltpu.VMEM((2, _CH), jnp.float32),
        pltpu.VMEM((2, _CH), jnp.float32),
        pltpu.SemaphoreType.DMA,
        pltpu.SemaphoreType.DMA,
        pltpu.SemaphoreType.DMA,
        pltpu.SemaphoreType.DMA,
    ],
)
def _gather_scale(src_hbm, pk_hbm, out_hbm,
                  r0, r1, pk2, ol0, ol1, oh0, oh1,
                  sin0, sin1, sout0, sout1):
    wid = lax.axis_index("s") * 2 + lax.axis_index("c")
    p0 = wid * _PPW
    rows = (r0, r1)
    outs = (ol0, ol1, oh0, oh1)
    ochan = (p0, p0 + 1, 64 + p0, 64 + p0 + 1)
    sins = (sin0, sin1)
    souts = (sout0, sout1)

    def start_in(k, b):
        pltpu.async_copy(pk_hbm.at[pl.ds(k * _CH, _CH)], pk2.at[b], sins[b])

    def wait_in(k, b):
        pltpu.make_async_copy(pk_hbm.at[pl.ds(k * _CH, _CH)], pk2.at[b],
                              sins[b]).wait()

    def out_copies(k, b):
        return [
            pltpu.make_async_copy(
                outs[c].at[b],
                out_hbm.at[ochan[c], pl.ds(k * _CH, _CH)],
                souts[b])
            for c in range(4)
        ]

    start_in(0, 0)
    start_in(1, 1)
    for c in range(_PPW):
        pltpu.sync_copy(src_hbm.at[p0 + c], rows[c])

    def step(i, carry):
        for b in range(2):
            k = 2 * i + b
            wait_in(k, b)

            @pl.when(i >= 1)
            def _():
                for cp in out_copies(k - 2, b):
                    cp.wait()

            @plsc.parallel_loop(0, _CH // 16, unroll=8)
            def _(j):
                o = j * 16
                pk = pk2[b, pl.ds(o, 16)]
                iv = pk & 0xFFFF
                wv = plsc.bitcast(pk & jnp.int32(-65536), jnp.float32)
                for c in range(_PPW):
                    g = plsc.load_gather(rows[c], [iv])
                    glo = plsc.bitcast(lax.shift_left(g, 16), jnp.float32)
                    ghi = plsc.bitcast(g & jnp.int32(-65536), jnp.float32)
                    outs[c][b, pl.ds(o, 16)] = glo * wv
                    outs[2 + c][b, pl.ds(o, 16)] = ghi * wv

            for cp in out_copies(k, b):
                cp.start()

            @pl.when(i < _NCH // 2 - 1)
            def _():
                start_in(k + 2, b)
        return carry

    lax.fori_loop(0, _NCH // 2, step, 0)
    for b in range(2):
        for cp in out_copies(_NCH - 2 + b, b):
            cp.wait()


def kernel(x2d, projected_pix, scale_2d, fov_mask, pix_z, depth_img):
    c, h, w = x2d.shape
    xs = projected_pix[:, 0]
    ys = projected_pix[:, 1]
    rcp_vec = jnp.full((16,), 1.0, jnp.float32) / jnp.float32(scale_2d)
    fov_f = fov_mask.astype(jnp.float32)
    pz = pix_z.reshape(-1)
    depth_flat = depth_img.reshape(-1)
    bf = x2d.reshape(c, h * w).astype(jnp.bfloat16)
    src_pk = lax.bitcast_convert_type(
        jnp.stack([bf[: c // 2], bf[c // 2:]], axis=-1), jnp.int32)

    pk = _idx_weight(xs, ys, rcp_vec, fov_f, pz, depth_flat)
    out = _gather_scale(src_pk, pk)
    return jnp.transpose(out.reshape(c, _SX, _SZ, _SY), (0, 1, 3, 2))

# --- scband reference (transcript-rebuilt; emitter-appended) ---
"""Pipeline reference for scband-gdp-1305670058177 (READ-ONLY COPY).

The authoritative reference and input builder live on the scoring server;
editing this copy changes nothing except your own understanding.
"""

import jax, jax.numpy as jnp
import numpy as np

SCENE_SIZE = (256, 256, 32)
PROJECT_SCALE = 2


def setup_inputs(seed: int = 0) -> dict:
    key = jax.random.key(seed)
    k1, k2, k3, k4, k5 = jax.random.split(key, 5)
    c, h, w = 128, 96, 320
    N = (SCENE_SIZE[0] // PROJECT_SCALE) * (SCENE_SIZE[1] // PROJECT_SCALE) * (SCENE_SIZE[2] // PROJECT_SCALE)
    x2d = jax.random.normal(k1, (c, h, w), dtype=jnp.float32)
    projected_pix = jax.random.randint(k2, (N, 2), 0, 96).astype(jnp.int32)
    fov_mask = jax.random.randint(k3, (N,), 0, 2) > 0
    pix_z = jax.random.uniform(k4, (1, N), dtype=jnp.float32)
    depth_img = jax.random.uniform(k5, (1, h, w), dtype=jnp.float32)
    scale_2d = 1
    return {"x2d": x2d, "projected_pix": projected_pix, "scale_2d": scale_2d, "fov_mask": fov_mask, "pix_z": pix_z, "depth_img": depth_img}


def _gaussian_decay_weight(pix_z, depth_value, mu=0.0, sigma=1.0):
    x = pix_z - depth_value
    gaussian_weight = jnp.exp(-0.5 * ((x - mu) / (sigma / PROJECT_SCALE)) ** 2)
    gaussian_weight_with_mask = jnp.where(depth_value == 0.0, jnp.float32(1.0), gaussian_weight)
    return gaussian_weight_with_mask


def reference(x2d, projected_pix, scale_2d, fov_mask, pix_z, depth_img):
    c, h, w = x2d.shape
    src = x2d.reshape(c, -1)
    zeros_vec = jnp.zeros((c, 1), dtype=src.dtype)
    src = jnp.concatenate([src, zeros_vec], axis=1)
    scaled_pix_x = projected_pix[:, 0] // scale_2d
    scaled_pix_y = projected_pix[:, 1] // scale_2d
    scaled_img_indices = scaled_pix_y * w + scaled_pix_x
    scaled_img_indices = jnp.where(fov_mask, scaled_img_indices, h * w)
    src_feature = jnp.take(src, scaled_img_indices, axis=1)
    depth_flat = depth_img.reshape(1, -1)
    zeros_item = jnp.zeros((1, 1), dtype=depth_flat.dtype)
    depth_flat = jnp.concatenate([depth_flat, zeros_item], axis=1)
    pix_x = projected_pix[:, 0]
    pix_y = projected_pix[:, 1]
    img_indices = pix_y * w + pix_x
    img_indices = jnp.where(fov_mask, img_indices, depth_img.shape[1] * depth_img.shape[2])
    depth_values = jnp.take(depth_flat[0], img_indices)[None, :]
    weights = _gaussian_decay_weight(pix_z, depth_values, mu=0.0, sigma=1.0).astype(jnp.float32)
    weighted_feature = src_feature * weights
    x3d = weighted_feature.reshape(c, SCENE_SIZE[0] // PROJECT_SCALE, SCENE_SIZE[1] // PROJECT_SCALE, SCENE_SIZE[2] // PROJECT_SCALE)
    return x3d

if __name__ == "__main__":
    import jax
    _d = setup_inputs()
    print(jax.jit(kernel)(*tuple(_d.values())))

</pallas_src>

<mosaic_0001>
#map = affine_map<(d0, d1) -> (0, 0)>
#map1 = affine_map<(d0, d1) -> (0)>
module attributes {stable_mosaic.version = 14 : i64} {
  func.func @_gather_scale(%arg0: i32, %arg1: i32, %arg2: memref<64x30720xi32, #tpu.memory_space<hbm>>, %arg3: memref<262144xi32, #tpu.memory_space<hbm>>, %arg4: memref<128x262144xf32, #tpu.memory_space<hbm>>, %arg5: memref<30720xi32, #tpu.memory_space<vmem>>, %arg6: memref<30720xi32, #tpu.memory_space<vmem>>, %arg7: memref<2x2048xi32, #tpu.memory_space<vmem>>, %arg8: memref<2x2048xf32, #tpu.memory_space<vmem>>, %arg9: memref<2x2048xf32, #tpu.memory_space<vmem>>, %arg10: memref<2x2048xf32, #tpu.memory_space<vmem>>, %arg11: memref<2x2048xf32, #tpu.memory_space<vmem>>, %arg12: memref<!tpu.dma_semaphore, #tpu.memory_space<semaphore_mem>>, %arg13: memref<!tpu.dma_semaphore, #tpu.memory_space<semaphore_mem>>, %arg14: memref<!tpu.dma_semaphore, #tpu.memory_space<semaphore_mem>>, %arg15: memref<!tpu.dma_semaphore, #tpu.memory_space<semaphore_mem>>) attributes {dimension_semantics = [#tpu.dimension_semantics<core_parallel>, #tpu.dimension_semantics<subcore_parallel>], iteration_bounds = array<i64: 2, 16>, scalar_prefetch = 0 : i64, scratch_operands = 11 : i64, tpu.core_type = #tpu.core_type<sc_vector_subcore>, window_params = [{transform_indices = #map}, {transform_indices = #map1}, {transform_indices = #map}]} {
    %mul3A = arith.constant 2 : i32
    %mul3A_0 = arith.muli %arg1, %mul3A : i32
    %add3A = arith.addi %mul3A_0, %arg0 : i32
    %mul3A_1 = arith.constant 2 : i32
    %mul3A_2 = arith.muli %add3A, %mul3A_1 : i32
    %add3A_3 = arith.constant 1 : i32
    %add3A_4 = arith.addi %mul3A_2, %add3A_3 : i32
    %add3A_5 = arith.constant 64 : i32
    %add3A_6 = arith.addi %add3A_5, %mul3A_2 : i32
    %add3A_7 = arith.constant 64 : i32
    %add3A_8 = arith.addi %add3A_7, %mul3A_2 : i32
    %add3A_9 = arith.constant 1 : i32
    %add3A_10 = arith.addi %add3A_8, %add3A_9 : i32
    %dma_start3A = arith.constant 0 : i32
    %dma_start3A_11 = arith.constant 0 : i32
    %dma_start3A_12 = tpu.memref_slice %arg7[%dma_start3A, %dma_start3A_11] : memref<2x2048xi32, #tpu.memory_space<vmem>> -> memref<1x2048xi32, #tpu.memory_space<vmem>>
    %dma_start3A_13 = tpu.memref_squeeze %dma_start3A_12 : memref<1x2048xi32, #tpu.memory_space<vmem>> -> memref<2048xi32, #tpu.memory_space<vmem>>
    %dma_start3A_14 = arith.constant 0 : i32
    %dma_start3A_15 = tpu.memref_slice %arg3[%dma_start3A_14] : memref<262144xi32, #tpu.memory_space<hbm>> -> memref<2048xi32, #tpu.memory_space<hbm>>
    %dma_start3A_16 = arith.constant 0 : i32
    %dma_start3A_17 = tpu.memref_slice %arg7[%dma_start3A, %dma_start3A_16] : memref<2x2048xi32, #tpu.memory_space<vmem>> -> memref<1x2048xi32, #tpu.memory_space<vmem>>
    %dma_start3A_18 = tpu.memref_squeeze %dma_start3A_17 : memref<1x2048xi32, #tpu.memory_space<vmem>> -> memref<2048xi32, #tpu.memory_space<vmem>>
    %dma_start3A_19 = arith.constant 0 : i32
    %dma_start3A_20 = tpu.memref_slice %arg3[%dma_start3A_19] : memref<262144xi32, #tpu.memory_space<hbm>> -> memref<2048xi32, #tpu.memory_space<hbm>>
    tpu.enqueue_dma source(%dma_start3A_20 : memref<2048xi32, #tpu.memory_space<hbm>>) target(%dma_start3A_18 : memref<2048xi32, #tpu.memory_space<vmem>>) target_semaphore(%arg12 : memref<!tpu.dma_semaphore, #tpu.memory_space<semaphore_mem>>)
    %dma_start3A_21 = arith.constant 1 : i32
    %dma_start3A_22 = arith.constant 0 : i32
    %dma_start3A_23 = tpu.memref_slice %arg7[%dma_start3A_21, %dma_start3A_22] : memref<2x2048xi32, #tpu.memory_space<vmem>> -> memref<1x2048xi32, #tpu.memory_space<vmem>>
    %dma_start3A_24 = tpu.memref_squeeze %dma_start3A_23 : memref<1x2048xi32, #tpu.memory_space<vmem>> -> memref<2048xi32, #tpu.memory_space<vmem>>
    %dma_start3A_25 = arith.constant 2048 : i32
    %dma_start3A_26 = tpu.memref_slice %arg3[%dma_start3A_25] : memref<262144xi32, #tpu.memory_space<hbm>> -> memref<2048xi32, #tpu.memory_space<hbm>>
    %dma_start3A_27 = arith.constant 0 : i32
    %dma_start3A_28 = tpu.memref_slice %arg7[%dma_start3A_21, %dma_start3A_27] : memref<2x2048xi32, #tpu.memory_space<vmem>> -> memref<1x2048xi32, #tpu.memory_space<vmem>>
    %dma_start3A_29 = tpu.memref_squeeze %dma_start3A_28 : memref<1x2048xi32, #tpu.memory_space<vmem>> -> memref<2048xi32, #tpu.memory_space<vmem>>
    %dma_start3A_30 = arith.constant 2048 : i32
    %dma_start3A_31 = tpu.memref_slice %arg3[%dma_start3A_30] : memref<262144xi32, #tpu.memory_space<hbm>> -> memref<2048xi32, #tpu.memory_space<hbm>>
    tpu.enqueue_dma source(%dma_start3A_31 : memref<2048xi32, #tpu.memory_space<hbm>>) target(%dma_start3A_29 : memref<2048xi32, #tpu.memory_space<vmem>>) target_semaphore(%arg13 : memref<!tpu.dma_semaphore, #tpu.memory_space<semaphore_mem>>)
    %add3A_32 = arith.constant 0 : i32
    %add3A_33 = arith.addi %mul3A_2, %add3A_32 : i32
    "tpu.region"() ({
      %run_scoped3A = tpu.sem_alloc : memref<!tpu.dma_semaphore, #tpu.memory_space<semaphore_mem>>
      %dma_start3A_144 = arith.constant 0 : i32
      %dma_start3A_145 = tpu.memref_slice %arg2[%add3A_33, %dma_start3A_144] : memref<64x30720xi32, #tpu.memory_space<hbm>> -> memref<1x30720xi32, #tpu.memory_space<hbm>>
      %dma_start3A_146 = tpu.memref_squeeze %dma_start3A_145 : memref<1x30720xi32, #tpu.memory_space<hbm>> -> memref<30720xi32, #tpu.memory_space<hbm>>
      %dma_start3A_147 = arith.constant 0 : i32
      %dma_start3A_148 = tpu.memref_slice %arg2[%add3A_33, %dma_start3A_147] : memref<64x30720xi32, #tpu.memory_space<hbm>> -> memref<1x30720xi32, #tpu.memory_space<hbm>>
      %dma_start3A_149 = tpu.memref_squeeze %dma_start3A_148 : memref<1x30720xi32, #tpu.memory_space<hbm>> -> memref<30720xi32, #tpu.memory_space<hbm>>
      tpu.enqueue_dma source(%dma_start3A_149 : memref<30720xi32, #tpu.memory_space<hbm>>) target(%arg5 : memref<30720xi32, #tpu.memory_space<vmem>>) target_semaphore(%run_scoped3A : memref<!tpu.dma_semaphore, #tpu.memory_space<semaphore_mem>>)
      %dma_wait3A_150 = arith.constant 0 : i32
      %dma_wait3A_151 = tpu.memref_slice %arg2[%add3A_33, %dma_wait3A_150] : memref<64x30720xi32, #tpu.memory_space<hbm>> -> memref<1x30720xi32, #tpu.memory_space<hbm>>
      %dma_wait3A_152 = tpu.memref_squeeze %dma_wait3A_151 : memref<1x30720xi32, #tpu.memory_space<hbm>> -> memref<30720xi32, #tpu.memory_space<hbm>>
      %dma_wait3A_153 = arith.constant 0 : i32
      %dma_wait3A_154 = tpu.memref_slice %arg2[%add3A_33, %dma_wait3A_153] : memref<64x30720xi32, #tpu.memory_space<hbm>> -> memref<1x30720xi32, #tpu.memory_space<hbm>>
      %dma_wait3A_155 = tpu.memref_squeeze %dma_wait3A_154 : memref<1x30720xi32, #tpu.memory_space<hbm>> -> memref<30720xi32, #tpu.memory_space<hbm>>
      tpu.wait_dma2 semaphore(%run_scoped3A : memref<!tpu.dma_semaphore, #tpu.memory_space<semaphore_mem>>) src(%dma_wait3A_155 : memref<30720xi32, #tpu.memory_space<hbm>>) dst(%arg5 : memref<30720xi32, #tpu.memory_space<vmem>>)
      tpu.yield
    }) : () -> ()
    %add3A_34 = arith.constant 1 : i32
    %add3A_35 = arith.addi %mul3A_2, %add3A_34 : i32
    "tpu.region"() ({
      %run_scoped3A = tpu.sem_alloc : memref<!tpu.dma_semaphore, #tpu.memory_space<semaphore_mem>>
      %dma_start3A_144 = arith.constant 0 : i32
      %dma_start3A_145 = tpu.memref_slice %arg2[%add3A_35, %dma_start3A_144] : memref<64x30720xi32, #tpu.memory_space<hbm>> -> memref<1x30720xi32, #tpu.memory_space<hbm>>
      %dma_start3A_146 = tpu.memref_squeeze %dma_start3A_145 : memref<1x30720xi32, #tpu.memory_space<hbm>> -> memref<30720xi32, #tpu.memory_space<hbm>>
      %dma_start3A_147 = arith.constant 0 : i32
      %dma_start3A_148 = tpu.memref_slice %arg2[%add3A_35, %dma_start3A_147] : memref<64x30720xi32, #tpu.memory_space<hbm>> -> memref<1x30720xi32, #tpu.memory_space<hbm>>
      %dma_start3A_149 = tpu.memref_squeeze %dma_start3A_148 : memref<1x30720xi32, #tpu.memory_space<hbm>> -> memref<30720xi32, #tpu.memory_space<hbm>>
      tpu.enqueue_dma source(%dma_start3A_149 : memref<30720xi32, #tpu.memory_space<hbm>>) target(%arg6 : memref<30720xi32, #tpu.memory_space<vmem>>) target_semaphore(%run_scoped3A : memref<!tpu.dma_semaphore, #tpu.memory_space<semaphore_mem>>)
      %dma_wait3A_150 = arith.constant 0 : i32
      %dma_wait3A_151 = tpu.memref_slice %arg2[%add3A_35, %dma_wait3A_150] : memref<64x30720xi32, #tpu.memory_space<hbm>> -> memref<1x30720xi32, #tpu.memory_space<hbm>>
      %dma_wait3A_152 = tpu.memref_squeeze %dma_wait3A_151 : memref<1x30720xi32, #tpu.memory_space<hbm>> -> memref<30720xi32, #tpu.memory_space<hbm>>
      %dma_wait3A_153 = arith.constant 0 : i32
      %dma_wait3A_154 = tpu.memref_slice %arg2[%add3A_35, %dma_wait3A_153] : memref<64x30720xi32, #tpu.memory_space<hbm>> -> memref<1x30720xi32, #tpu.memory_space<hbm>>
      %dma_wait3A_155 = tpu.memref_squeeze %dma_wait3A_154 : memref<1x30720xi32, #tpu.memory_space<hbm>> -> memref<30720xi32, #tpu.memory_space<hbm>>
      tpu.wait_dma2 semaphore(%run_scoped3A : memref<!tpu.dma_semaphore, #tpu.memory_space<semaphore_mem>>) src(%dma_wait3A_155 : memref<30720xi32, #tpu.memory_space<hbm>>) dst(%arg6 : memref<30720xi32, #tpu.memory_space<vmem>>)
      tpu.yield
    }) : () -> ()
    %scan3A = arith.constant 0 : i32
    %scan3A_36 = arith.constant 0 : i32
    %scan3A_37 = arith.constant 64 : i32
    %scan3A_38 = arith.addi %scan3A_36, %scan3A_37 : i32
    %scan3A_39 = arith.constant 1 : i32
    scf.for %scan3A_144 = %scan3A_36 to %scan3A_38 step %scan3A_39  : i32 {
      %mul3A_145 = arith.constant 2 : i32
      %mul3A_146 = arith.muli %mul3A_145, %scan3A_144 : i32
      %add3A_147 = arith.constant 0 : i32
      %add3A_148 = arith.addi %mul3A_146, %add3A_147 : i32
      %mul3A_149 = arith.constant 2048 : i32
      %mul3A_150 = arith.muli %add3A_148, %mul3A_149 : i32
      %dma_wait3A_151 = arith.constant 0 : i32
      %dma_wait3A_152 = arith.constant 0 : i32
      %dma_wait3A_153 = tpu.memref_slice %arg7[%dma_wait3A_151, %dma_wait3A_152] : memref<2x2048xi32, #tpu.memory_space<vmem>> -> memref<1x2048xi32, #tpu.memory_space<vmem>>
      %dma_wait3A_154 = tpu.memref_squeeze %dma_wait3A_153 : memref<1x2048xi32, #tpu.memory_space<vmem>> -> memref<2048xi32, #tpu.memory_space<vmem>>
      %dma_wait3A_155 = tpu.memref_slice %arg3[%mul3A_150] : memref<262144xi32, #tpu.memory_space<hbm>> -> memref<2048xi32, #tpu.memory_space<hbm>>
      %dma_wait3A_156 = arith.constant 0 : i32
      %dma_wait3A_157 = tpu.memref_slice %arg7[%dma_wait3A_151, %dma_wait3A_156] : memref<2x2048xi32, #tpu.memory_space<vmem>> -> memref<1x2048xi32, #tpu.memory_space<vmem>>
      %dma_wait3A_158 = tpu.memref_squeeze %dma_wait3A_157 : memref<1x2048xi32, #tpu.memory_space<vmem>> -> memref<2048xi32, #tpu.memory_space<vmem>>
      %dma_wait3A_159 = tpu.memref_slice %arg3[%mul3A_150] : memref<262144xi32, #tpu.memory_space<hbm>> -> memref<2048xi32, #tpu.memory_space<hbm>>
      tpu.wait_dma2 semaphore(%arg12 : memref<!tpu.dma_semaphore, #tpu.memory_space<semaphore_mem>>) src(%dma_wait3A_159 : memref<2048xi32, #tpu.memory_space<hbm>>) dst(%dma_wait3A_158 : memref<2048xi32, #tpu.memory_space<vmem>>)
      %ge3A = arith.constant 1 : i32
      %ge3A_160 = arith.cmpi sge, %scan3A_144, %ge3A : i32
      %convert_element_type3A = arith.extui %ge3A_160 : i1 to i32
      %cond3A = arith.constant 0 : i32
      %cond3A_161 = arith.cmpi ne, %convert_element_type3A, %cond3A : i32
      scf.if %cond3A_161 {
        %sub3A = arith.constant 2 : i32
        %sub3A_300 = arith.subi %add3A_148, %sub3A : i32
        %mul3A_301 = arith.constant 2048 : i32
        %mul3A_302 = arith.muli %sub3A_300, %mul3A_301 : i32
        %mul3A_303 = arith.constant 2048 : i32
        %mul3A_304 = arith.muli %sub3A_300, %mul3A_303 : i32
        %mul3A_305 = arith.constant 2048 : i32
        %mul3A_306 = arith.muli %sub3A_300, %mul3A_305 : i32
        %mul3A_307 = arith.constant 2048 : i32
        %mul3A_308 = arith.muli %sub3A_300, %mul3A_307 : i32
        %dma_wait3A_309 = arith.constant 0 : i32
        %dma_wait3A_310 = arith.constant 0 : i32
        %dma_wait3A_311 = tpu.memref_slice %arg8[%dma_wait3A_309, %dma_wait3A_310] : memref<2x2048xf32, #tpu.memory_space<vmem>> -> memref<1x2048xf32, #tpu.memory_space<vmem>>
        %dma_wait3A_312 = tpu.memref_squeeze %dma_wait3A_311 : memref<1x2048xf32, #tpu.memory_space<vmem>> -> memref<2048xf32, #tpu.memory_space<vmem>>
        %dma_wait3A_313 = tpu.memref_slice %arg4[%mul3A_2, %mul3A_302] : memref<128x262144xf32, #tpu.memory_space<hbm>> -> memref<1x2048xf32, #tpu.memory_space<hbm>>
        %dma_wait3A_314 = tpu.memref_squeeze %dma_wait3A_313 : memref<1x2048xf32, #tpu.memory_space<hbm>> -> memref<2048xf32, #tpu.memory_space<hbm>>
        %dma_wait3A_315 = tpu.memref_slice %arg4[%mul3A_2, %mul3A_302] : memref<128x262144xf32, #tpu.memory_space<hbm>> -> memref<1x2048xf32, #tpu.memory_space<hbm>>
        %dma_wait3A_316 = tpu.memref_squeeze %dma_wait3A_315 : memref<1x2048xf32, #tpu.memory_space<hbm>> -> memref<2048xf32, #tpu.memory_space<hbm>>
        %dma_wait3A_317 = arith.constant 0 : i32
        %dma_wait3A_318 = tpu.memref_slice %arg8[%dma_wait3A_309, %dma_wait3A_317] : memref<2x2048xf32, #tpu.memory_space<vmem>> -> memref<1x2048xf32, #tpu.memory_space<vmem>>
        %dma_wait3A_319 = tpu.memref_squeeze %dma_wait3A_318 : memref<1x2048xf32, #tpu.memory_space<vmem>> -> memref<2048xf32, #tpu.memory_space<vmem>>
        tpu.wait_dma2 semaphore(%arg14 : memref<!tpu.dma_semaphore, #tpu.memory_space<semaphore_mem>>) src(%dma_wait3A_319 : memref<2048xf32, #tpu.memory_space<vmem>>) dst(%dma_wait3A_316 : memref<2048xf32, #tpu.memory_space<hbm>>)
        %dma_wait3A_320 = arith.constant 0 : i32
        %dma_wait3A_321 = arith.constant 0 : i32
        %dma_wait3A_322 = tpu.memref_slice %arg9[%dma_wait3A_320, %dma_wait3A_321] : memref<2x2048xf32, #tpu.memory_space<vmem>> -> memref<1x2048xf32, #tpu.memory_space<vmem>>
        %dma_wait3A_323 = tpu.memref_squeeze %dma_wait3A_322 : memref<1x2048xf32, #tpu.memory_space<vmem>> -> memref<2048xf32, #tpu.memory_space<vmem>>
        %dma_wait3A_324 = tpu.memref_slice %arg4[%add3A_4, %mul3A_304] : memref<128x262144xf32, #tpu.memory_space<hbm>> -> memref<1x2048xf32, #tpu.memory_space<hbm>>
        %dma_wait3A_325 = tpu.memref_squeeze %dma_wait3A_324 : memref<1x2048xf32, #tpu.memory_space<hbm>> -> memref<2048xf32, #tpu.memory_space<hbm>>
        %dma_wait3A_326 = tpu.memref_slice %arg4[%add3A_4, %mul3A_304] : memref<128x262144xf32, #tpu.memory_space<hbm>> -> memref<1x2048xf32, #tpu.memory_space<hbm>>
        %dma_wait3A_327 = tpu.memref_squeeze %dma_wait3A_326 : memref<1x2048xf32, #tpu.memory_space<hbm>> -> memref<2048xf32, #tpu.memory_space<hbm>>
        %dma_wait3A_328 = arith.constant 0 : i32
        %dma_wait3A_329 = tpu.memref_slice %arg9[%dma_wait3A_320, %dma_wait3A_328] : memref<2x2048xf32, #tpu.memory_space<vmem>> -> memref<1x2048xf32, #tpu.memory_space<vmem>>
        %dma_wait3A_330 = tpu.memref_squeeze %dma_wait3A_329 : memref<1x2048xf32, #tpu.memory_space<vmem>> -> memref<2048xf32, #tpu.memory_space<vmem>>
        tpu.wait_dma2 semaphore(%arg14 : memref<!tpu.dma_semaphore, #tpu.memory_space<semaphore_mem>>) src(%dma_wait3A_330 : memref<2048xf32, #tpu.memory_space<vmem>>) dst(%dma_wait3A_327 : memref<2048xf32, #tpu.memory_space<hbm>>)
        %dma_wait3A_331 = arith.constant 0 : i32
        %dma_wait3A_332 = arith.constant 0 : i32
        %dma_wait3A_333 = tpu.memref_slice %arg10[%dma_wait3A_331, %dma_wait3A_332] : memref<2x2048xf32, #tpu.memory_space<vmem>> -> memref<1x2048xf32, #tpu.memory_space<vmem>>
        %dma_wait3A_334 = tpu.memref_squeeze %dma_wait3A_333 : memref<1x2048xf32, #tpu.memory_space<vmem>> -> memref<2048xf32, #tpu.memory_space<vmem>>
        %dma_wait3A_335 = tpu.memref_slice %arg4[%add3A_6, %mul3A_306] : memref<128x262144xf32, #tpu.memory_space<hbm>> -> memref<1x2048xf32, #tpu.memory_space<hbm>>
        %dma_wait3A_336 = tpu.memref_squeeze %dma_wait3A_335 : memref<1x2048xf32, #tpu.memory_space<hbm>> -> memref<2048xf32, #tpu.memory_space<hbm>>
        %dma_wait3A_337 = tpu.memref_slice %arg4[%add3A_6, %mul3A_306] : memref<128x262144xf32, #tpu.memory_space<hbm>> -> memref<1x2048xf32, #tpu.memory_space<hbm>>
        %dma_wait3A_338 = tpu.memref_squeeze %dma_wait3A_337 : memref<1x2048xf32, #tpu.memory_space<hbm>> -> memref<2048xf32, #tpu.memory_space<hbm>>
        %dma_wait3A_339 = arith.constant 0 : i32
        %dma_wait3A_340 = tpu.memref_slice %arg10[%dma_wait3A_331, %dma_wait3A_339] : memref<2x2048xf32, #tpu.memory_space<vmem>> -> memref<1x2048xf32, #tpu.memory_space<vmem>>
        %dma_wait3A_341 = tpu.memref_squeeze %dma_wait3A_340 : memref<1x2048xf32, #tpu.memory_space<vmem>> -> memref<2048xf32, #tpu.memory_space<vmem>>
        tpu.wait_dma2 semaphore(%arg14 : memref<!tpu.dma_semaphore, #tpu.memory_space<semaphore_mem>>) src(%dma_wait3A_341 : memref<2048xf32, #tpu.memory_space<vmem>>) dst(%dma_wait3A_338 : memref<2048xf32, #tpu.memory_space<hbm>>)
        %dma_wait3A_342 = arith.constant 0 : i32
        %dma_wait3A_343 = arith.constant 0 : i32
        %dma_wait3A_344 = tpu.memref_slice %arg11[%dma_wait3A_342, %dma_wait3A_343] : memref<2x2048xf32, #tpu.memory_space<vmem>> -> memref<1x2048xf32, #tpu.memory_space<vmem>>
        %dma_wait3A_345 = tpu.memref_squeeze %dma_wait3A_344 : memref<1x2048xf32, #tpu.memory_space<vmem>> -> memref<2048xf32, #tpu.memory_space<vmem>>
        %dma_wait3A_346 = tpu.memref_slice %arg4[%add3A_10, %mul3A_308] : memref<128x262144xf32, #tpu.memory_space<hbm>> -> memref<1x2048xf32, #tpu.memory_space<hbm>>
        %dma_wait3A_347 = tpu.memref_squeeze %dma_wait3A_346 : memref<1x2048xf32, #tpu.memory_space<hbm>> -> memref<2048xf32, #tpu.memory_space<hbm>>
        %dma_wait3A_348 = tpu.memref_slice %arg4[%add3A_10, %mul3A_308] : memref<128x262144xf32, #tpu.memory_space<hbm>> -> memref<1x2048xf32, #tpu.memory_space<hbm>>
        %dma_wait3A_349 = tpu.memref_squeeze %dma_wait3A_348 : memref<1x2048xf32, #tpu.memory_space<hbm>> -> memref<2048xf32, #tpu.memory_space<hbm>>
        %dma_wait3A_350 = arith.constant 0 : i32
        %dma_wait3A_351 = tpu.memref_slice %arg11[%dma_wait3A_342, %dma_wait3A_350] : memref<2x2048xf32, #tpu.memory_space<vmem>> -> memref<1x2048xf32, #tpu.memory_space<vmem>>
        %dma_wait3A_352 = tpu.memref_squeeze %dma_wait3A_351 : memref<1x2048xf32, #tpu.memory_space<vmem>> -> memref<2048xf32, #tpu.memory_space<vmem>>
        tpu.wait_dma2 semaphore(%arg14 : memref<!tpu.dma_semaphore, #tpu.memory_space<semaphore_mem>>) src(%dma_wait3A_352 : memref<2048xf32, #tpu.memory_space<vmem>>) dst(%dma_wait3A_349 : memref<2048xf32, #tpu.memory_space<hbm>>)
      } else {
      }
      %parallel_loop3A = arith.constant 0 : i32
      %parallel_loop3A_162 = arith.constant 128 : i32
      %parallel_loop3A_163 = arith.constant 1 : i32
      scf.for %parallel_loop3A_300 = %parallel_loop3A to %parallel_loop3A_162 step %parallel_loop3A_163  : i32 {
        %parallel_loop3A_301 = arith.constant 16 : i32
        %parallel_loop3A_302 = arith.muli %parallel_loop3A_300, %parallel_loop3A_301 : i32
        %parallel_loop3A_303 = arith.constant 0 : i32
        %parallel_loop3A_304 = arith.index_cast %parallel_loop3A_303 : i32 to index
        %parallel_loop3A_305 = arith.index_cast %parallel_loop3A_302 : i32 to index
        %parallel_loop3A_306 = tpu.vector_load %arg7[%parallel_loop3A_304, %parallel_loop3A_305] {strides = array<i32>} : memref<2x2048xi32, #tpu.memory_space<vmem>>, vector<16xi32>,
        %parallel_loop3A_307 = arith.constant 65535 : i32
        %parallel_loop3A_308 = vector.broadcast %parallel_loop3A_307 : i32 to vector<16xi32>
        %parallel_loop3A_309 = arith.andi %parallel_loop3A_306, %parallel_loop3A_308 : vector<16xi32>
        %parallel_loop3A_310 = arith.constant -65536 : i32
        %parallel_loop3A_311 = vector.broadcast %parallel_loop3A_310 : i32 to vector<16xi32>
        %parallel_loop3A_312 = arith.andi %parallel_loop3A_306, %parallel_loop3A_311 : vector<16xi32>
        %parallel_loop3A_313 = vector.bitcast %parallel_loop3A_312 : vector<16xi32> to vector<16xf32>
        %parallel_loop3A_314 = tpu.vector_load_idx %arg5[%parallel_loop3A_309] : memref<30720xi32, #tpu.memory_space<vmem>>[vector<16xi32>], vector<16xi32>,
        %parallel_loop3A_315 = arith.constant 16 : i32
        %parallel_loop3A_316 = vector.broadcast %parallel_loop3A_315 : i32 to vector<16xi32>
        %parallel_loop3A_317 = arith.shli %parallel_loop3A_314, %parallel_loop3A_316 : vector<16xi32>
        %parallel_loop3A_318 = vector.bitcast %parallel_loop3A_317 : vector<16xi32> to vector<16xf32>
        %parallel_loop3A_319 = arith.constant -65536 : i32
        %parallel_loop3A_320 = vector.broadcast %parallel_loop3A_319 : i32 to vector<16xi32>
        %parallel_loop3A_321 = arith.andi %parallel_loop3A_314, %parallel_loop3A_320 : vector<16xi32>
        %parallel_loop3A_322 = vector.bitcast %parallel_loop3A_321 : vector<16xi32> to vector<16xf32>
        %parallel_loop3A_323 = arith.mulf %parallel_loop3A_318, %parallel_loop3A_313 : vector<16xf32>
        %parallel_loop3A_324 = arith.constant 0 : i32
        %parallel_loop3A_325 = arith.index_cast %parallel_loop3A_324 : i32 to index
        %parallel_loop3A_326 = arith.index_cast %parallel_loop3A_302 : i32 to index
        %parallel_loop3A_327 = tpu.vector_load %arg8[%parallel_loop3A_325, %parallel_loop3A_326] {strides = array<i32>} : memref<2x2048xf32, #tpu.memory_space<vmem>>, vector<16xf32>,
        tpu.vector_store %arg8[%parallel_loop3A_325, %parallel_loop3A_326], %parallel_loop3A_323 {strides = array<i32>} : memref<2x2048xf32, #tpu.memory_space<vmem>>, vector<16xf32>,
        %parallel_loop3A_328 = arith.mulf %parallel_loop3A_322, %parallel_loop3A_313 : vector<16xf32>
        %parallel_loop3A_329 = arith.constant 0 : i32
        %parallel_loop3A_330 = arith.index_cast %parallel_loop3A_329 : i32 to index
        %parallel_loop3A_331 = arith.index_cast %parallel_loop3A_302 : i32 to index
        %parallel_loop3A_332 = tpu.vector_load %arg10[%parallel_loop3A_330, %parallel_loop3A_331] {strides = array<i32>} : memref<2x2048xf32, #tpu.memory_space<vmem>>, vector<16xf32>,
        tpu.vector_store %arg10[%parallel_loop3A_330, %parallel_loop3A_331], %parallel_loop3A_328 {strides = array<i32>} : memref<2x2048xf32, #tpu.memory_space<vmem>>, vector<16xf32>,
        %parallel_loop3A_333 = tpu.vector_load_idx %arg6[%parallel_loop3A_309] : memref<30720xi32, #tpu.memory_space<vmem>>[vector<16xi32>], vector<16xi32>,
        %parallel_loop3A_334 = arith.constant 16 : i32
        %parallel_loop3A_335 = vector.broadcast %parallel_loop3A_334 : i32 to vector<16xi32>
        %parallel_loop3A_336 = arith.shli %parallel_loop3A_333, %parallel_loop3A_335 : vector<16xi32>
        %parallel_loop3A_337 = vector.bitcast %parallel_loop3A_336 : vector<16xi32> to vector<16xf32>
        %parallel_loop3A_338 = arith.constant -65536 : i32
        %parallel_loop3A_339 = vector.broadcast %parallel_loop3A_338 : i32 to vector<16xi32>
        %parallel_loop3A_340 = arith.andi %parallel_loop3A_333, %parallel_loop3A_339 : vector<16xi32>
        %parallel_loop3A_341 = vector.bitcast %parallel_loop3A_340 : vector<16xi32> to vector<16xf32>
        %parallel_loop3A_342 = arith.mulf %parallel_loop3A_337, %parallel_loop3A_313 : vector<16xf32>
        %parallel_loop3A_343 = arith.constant 0 : i32
        %parallel_loop3A_344 = arith.index_cast %parallel_loop3A_343 : i32 to index
        %parallel_loop3A_345 = arith.index_cast %parallel_loop3A_302 : i32 to index
        %parallel_loop3A_346 = tpu.vector_load %arg9[%parallel_loop3A_344, %parallel_loop3A_345] {strides = array<i32>} : memref<2x2048xf32, #tpu.memory_space<vmem>>, vector<16xf32>,
        tpu.vector_store %arg9[%parallel_loop3A_344, %parallel_loop3A_345], %parallel_loop3A_342 {strides = array<i32>} : memref<2x2048xf32, #tpu.memory_space<vmem>>, vector<16xf32>,
        %parallel_loop3A_347 = arith.mulf %parallel_loop3A_341, %parallel_loop3A_313 : vector<16xf32>
        %parallel_loop3A_348 = arith.constant 0 : i32
        %parallel_loop3A_349 = arith.index_cast %parallel_loop3A_348 : i32 to index
        %parallel_loop3A_350 = arith.index_cast %parallel_loop3A_302 : i32 to index
        %parallel_loop3A_351 = tpu.vector_load %arg11[%parallel_loop3A_349, %parallel_loop3A_350] {strides = array<i32>} : memref<2x2048xf32, #tpu.memory_space<vmem>>, vector<16xf32>,
        tpu.vector_store %arg11[%parallel_loop3A_349, %parallel_loop3A_350], %parallel_loop3A_347 {strides = array<i32>} : memref<2x2048xf32, #tpu.memory_space<vmem>>, vector<16xf32>,
      } {sc.loop_unroll_factor = 8 : i64, sc.parallel_access}
      %mul3A_164 = arith.constant 2048 : i32
      %mul3A_165 = arith.muli %add3A_148, %mul3A_164 : i32
      %mul3A_166 = arith.constant 2048 : i32
      %mul3A_167 = arith.muli %add3A_148, %mul3A_166 : i32
      %mul3A_168 = arith.constant 2048 : i32
      %mul3A_169 = arith.muli %add3A_148, %mul3A_168 : i32
      %mul3A_170 = arith.constant 2048 : i32
      %mul3A_171 = arith.muli %add3A_148, %mul3A_170 : i32
      %dma_start3A_172 = arith.constant 0 : i32
      %dma_start3A_173 = arith.constant 0 : i32
      %dma_start3A_174 = tpu.memref_slice %arg8[%dma_start3A_172, %dma_start3A_173] : memref<2x2048xf32, #tpu.memory_space<vmem>> -> memref<1x2048xf32, #tpu.memory_space<vmem>>
      %dma_start3A_175 = tpu.memref_squeeze %dma_start3A_174 : memref<1x2048xf32, #tpu.memory_space<vmem>> -> memref<2048xf32, #tpu.memory_space<vmem>>
      %dma_start3A_176 = tpu.memref_slice %arg4[%mul3A_2, %mul3A_165] : memref<128x262144xf32, #tpu.memory_space<hbm>> -> memref<1x2048xf32, #tpu.memory_space<hbm>>
      %dma_start3A_177 = tpu.memref_squeeze %dma_start3A_176 : memref<1x2048xf32, #tpu.memory_space<hbm>> -> memref<2048xf32, #tpu.memory_space<hbm>>
      %dma_start3A_178 = tpu.memref_slice %arg4[%mul3A_2, %mul3A_165] : memref<128x262144xf32, #tpu.memory_space<hbm>> -> memref<1x2048xf32, #tpu.memory_space<hbm>>
      %dma_start3A_179 = tpu.memref_squeeze %dma_start3A_178 : memref<1x2048xf32, #tpu.memory_space<hbm>> -> memref<2048xf32, #tpu.memory_space<hbm>>
      %dma_start3A_180 = arith.constant 0 : i32
      %dma_start3A_181 = tpu.memref_slice %arg8[%dma_start3A_172, %dma_start3A_180] : memref<2x2048xf32, #tpu.memory_space<vmem>> -> memref<1x2048xf32, #tpu.memory_space<vmem>>
      %dma_start3A_182 = tpu.memref_squeeze %dma_start3A_181 : memref<1x2048xf32, #tpu.memory_space<vmem>> -> memref<2048xf32, #tpu.memory_space<vmem>>
      tpu.enqueue_dma source(%dma_start3A_182 : memref<2048xf32, #tpu.memory_space<vmem>>) target(%dma_start3A_179 : memref<2048xf32, #tpu.memory_space<hbm>>) target_semaphore(%arg14 : memref<!tpu.dma_semaphore, #tpu.memory_space<semaphore_mem>>)
      %dma_start3A_183 = arith.constant 0 : i32
      %dma_start3A_184 = arith.constant 0 : i32
      %dma_start3A_185 = tpu.memref_slice %arg9[%dma_start3A_183, %dma_start3A_184] : memref<2x2048xf32, #tpu.memory_space<vmem>> -> memref<1x2048xf32, #tpu.memory_space<vmem>>
      %dma_start3A_186 = tpu.memref_squeeze %dma_start3A_185 : memref<1x2048xf32, #tpu.memory_space<vmem>> -> memref<2048xf32, #tpu.memory_space<vmem>>
      %dma_start3A_187 = tpu.memref_slice %arg4[%add3A_4, %mul3A_167] : memref<128x262144xf32, #tpu.memory_space<hbm>> -> memref<1x2048xf32, #tpu.memory_space<hbm>>
      %dma_start3A_188 = tpu.memref_squeeze %dma_start3A_187 : memref<1x2048xf32, #tpu.memory_space<hbm>> -> memref<2048xf32, #tpu.memory_space<hbm>>
      %dma_start3A_189 = tpu.memref_slice %arg4[%add3A_4, %mul3A_167] : memref<128x262144xf32, #tpu.memory_space<hbm>> -> memref<1x2048xf32, #tpu.memory_space<hbm>>
      %dma_start3A_190 = tpu.memref_squeeze %dma_start3A_189 : memref<1x2048xf32, #tpu.memory_space<hbm>> -> memref<2048xf32, #tpu.memory_space<hbm>>
      %dma_start3A_191 = arith.constant 0 : i32
      %dma_start3A_192 = tpu.memref_slice %arg9[%dma_start3A_183, %dma_start3A_191] : memref<2x2048xf32, #tpu.memory_space<vmem>> -> memref<1x2048xf32, #tpu.memory_space<vmem>>
      %dma_start3A_193 = tpu.memref_squeeze %dma_start3A_192 : memref<1x2048xf32, #tpu.memory_space<vmem>> -> memref<2048xf32, #tpu.memory_space<vmem>>
      tpu.enqueue_dma source(%dma_start3A_193 : memref<2048xf32, #tpu.memory_space<vmem>>) target(%dma_start3A_190 : memref<2048xf32, #tpu.memory_space<hbm>>) target_semaphore(%arg14 : memref<!tpu.dma_semaphore, #tpu.memory_space<semaphore_mem>>)
      %dma_start3A_194 = arith.constant 0 : i32
      %dma_start3A_195 = arith.constant 0 : i32
      %dma_start3A_196 = tpu.memref_slice %arg10[%dma_start3A_194, %dma_start3A_195] : memref<2x2048xf32, #tpu.memory_space<vmem>> -> memref<1x2048xf32, #tpu.memory_space<vmem>>
      %dma_start3A_197 = tpu.memref_squeeze %dma_start3A_196 : memref<1x2048xf32, #tpu.memory_space<vmem>> -> memref<2048xf32, #tpu.memory_space<vmem>>
      %dma_start3A_198 = tpu.memref_slice %arg4[%add3A_6, %mul3A_169] : memref<128x262144xf32, #tpu.memory_space<hbm>> -> memref<1x2048xf32, #tpu.memory_space<hbm>>
      %dma_start3A_199 = tpu.memref_squeeze %dma_start3A_198 : memref<1x2048xf32, #tpu.memory_space<hbm>> -> memref<2048xf32, #tpu.memory_space<hbm>>
      %dma_start3A_200 = tpu.memref_slice %arg4[%add3A_6, %mul3A_169] : memref<128x262144xf32, #tpu.memory_space<hbm>> -> memref<1x2048xf32, #tpu.memory_space<hbm>>
      %dma_start3A_201 = tpu.memref_squeeze %dma_start3A_200 : memref<1x2048xf32, #tpu.memory_space<hbm>> -> memref<2048xf32, #tpu.memory_space<hbm>>
      %dma_start3A_202 = arith.constant 0 : i32
      %dma_start3A_203 = tpu.memref_slice %arg10[%dma_start3A_194, %dma_start3A_202] : memref<2x2048xf32, #tpu.memory_space<vmem>> -> memref<1x2048xf32, #tpu.memory_space<vmem>>
      %dma_start3A_204 = tpu.memref_squeeze %dma_start3A_203 : memref<1x2048xf32, #tpu.memory_space<vmem>> -> memref<2048xf32, #tpu.memory_space<vmem>>
      tpu.enqueue_dma source(%dma_start3A_204 : memref<2048xf32, #tpu.memory_space<vmem>>) target(%dma_start3A_201 : memref<2048xf32, #tpu.memory_space<hbm>>) target_semaphore(%arg14 : memref<!tpu.dma_semaphore, #tpu.memory_space<semaphore_mem>>)
      %dma_start3A_205 = arith.constant 0 : i32
      %dma_start3A_206 = arith.constant 0 : i32
      %dma_start3A_207 = tpu.memref_slice %arg11[%dma_start3A_205, %dma_start3A_206] : memref<2x2048xf32, #tpu.memory_space<vmem>> -> memref<1x2048xf32, #tpu.memory_space<vmem>>
      %dma_start3A_208 = tpu.memref_squeeze %dma_start3A_207 : memref<1x2048xf32, #tpu.memory_space<vmem>> -> memref<2048xf32, #tpu.memory_space<vmem>>
      %dma_start3A_209 = tpu.memref_slice %arg4[%add3A_10, %mul3A_171] : memref<128x262144xf32, #tpu.memory_space<hbm>> -> memref<1x2048xf32, #tpu.memory_space<hbm>>
      %dma_start3A_210 = tpu.memref_squeeze %dma_start3A_209 : memref<1x2048xf32, #tpu.memory_space<hbm>> -> memref<2048xf32, #tpu.memory_space<hbm>>
      %dma_start3A_211 = tpu.memref_slice %arg4[%add3A_10, %mul3A_171] : memref<128x262144xf32, #tpu.memory_space<hbm>> -> memref<1x2048xf32, #tpu.memory_space<hbm>>
      %dma_start3A_212 = tpu.memref_squeeze %dma_start3A_211 : memref<1x2048xf32, #tpu.memory_space<hbm>> -> memref<2048xf32, #tpu.memory_space<hbm>>
      %dma_start3A_213 = arith.constant 0 : i32
      %dma_start3A_214 = tpu.memref_slice %arg11[%dma_start3A_205, %dma_start3A_213] : memref<2x2048xf32, #tpu.memory_space<vmem>> -> memref<1x2048xf32, #tpu.memory_space<vmem>>
      %dma_start3A_215 = tpu.memref_squeeze %dma_start3A_214 : memref<1x2048xf32, #tpu.memory_space<vmem>> -> memref<2048xf32, #tpu.memory_space<vmem>>
      tpu.enqueue_dma source(%dma_start3A_215 : memref<2048xf32, #tpu.memory_space<vmem>>) target(%dma_start3A_212 : memref<2048xf32, #tpu.memory_space<hbm>>) target_semaphore(%arg14 : memref<!tpu.dma_semaphore, #tpu.memory_space<semaphore_mem>>)
      %lt3A = arith.constant 63 : i32
      %lt3A_216 = arith.cmpi slt, %scan3A_144, %lt3A : i32
      %convert_element_type3A_217 = arith.extui %lt3A_216 : i1 to i32
      %cond3A_218 = arith.constant 0 : i32
      %cond3A_219 = arith.cmpi ne, %convert_element_type3A_217, %cond3A_218 : i32
      scf.if %cond3A_219 {
        %add3A_300 = arith.constant 2 : i32
        %add3A_301 = arith.addi %add3A_148, %add3A_300 : i32
        %mul3A_302 = arith.constant 2048 : i32
        %mul3A_303 = arith.muli %add3A_301, %mul3A_302 : i32
        %dma_start3A_304 = arith.constant 0 : i32
        %dma_start3A_305 = arith.constant 0 : i32
        %dma_start3A_306 = tpu.memref_slice %arg7[%dma_start3A_304, %dma_start3A_305] : memref<2x2048xi32, #tpu.memory_space<vmem>> -> memref<1x2048xi32, #tpu.memory_space<vmem>>
        %dma_start3A_307 = tpu.memref_squeeze %dma_start3A_306 : memref<1x2048xi32, #tpu.memory_space<vmem>> -> memref<2048xi32, #tpu.memory_space<vmem>>
        %dma_start3A_308 = tpu.memref_slice %arg3[%mul3A_303] : memref<262144xi32, #tpu.memory_space<hbm>> -> memref<2048xi32, #tpu.memory_space<hbm>>
        %dma_start3A_309 = arith.constant 0 : i32
        %dma_start3A_310 = tpu.memref_slice %arg7[%dma_start3A_304, %dma_start3A_309] : memref<2x2048xi32, #tpu.memory_space<vmem>> -> memref<1x2048xi32, #tpu.memory_space<vmem>>
        %dma_start3A_311 = tpu.memref_squeeze %dma_start3A_310 : memref<1x2048xi32, #tpu.memory_space<vmem>> -> memref<2048xi32, #tpu.memory_space<vmem>>
        %dma_start3A_312 = tpu.memref_slice %arg3[%mul3A_303] : memref<262144xi32, #tpu.memory_space<hbm>> -> memref<2048xi32, #tpu.memory_space<hbm>>
        tpu.enqueue_dma source(%dma_start3A_312 : memref<2048xi32, #tpu.memory_space<hbm>>) target(%dma_start3A_311 : memref<2048xi32, #tpu.memory_space<vmem>>) target_semaphore(%arg12 : memref<!tpu.dma_semaphore, #tpu.memory_space<semaphore_mem>>)
      } else {
      }
      %mul3A_220 = arith.constant 2 : i32
      %mul3A_221 = arith.muli %mul3A_220, %scan3A_144 : i32
      %add3A_222 = arith.constant 1 : i32
      %add3A_223 = arith.addi %mul3A_221, %add3A_222 : i32
      %mul3A_224 = arith.constant 2048 : i32
      %mul3A_225 = arith.muli %add3A_223, %mul3A_224 : i32
      %dma_wait3A_226 = arith.constant 1 : i32
      %dma_wait3A_227 = arith.constant 0 : i32
      %dma_wait3A_228 = tpu.memref_slice %arg7[%dma_wait3A_226, %dma_wait3A_227] : memref<2x2048xi32, #tpu.memory_space<vmem>> -> memref<1x2048xi32, #tpu.memory_space<vmem>>
      %dma_wait3A_229 = tpu.memref_squeeze %dma_wait3A_228 : memref<1x2048xi32, #tpu.memory_space<vmem>> -> memref<2048xi32, #tpu.memory_space<vmem>>
      %dma_wait3A_230 = tpu.memref_slice %arg3[%mul3A_225] : memref<262144xi32, #tpu.memory_space<hbm>> -> memref<2048xi32, #tpu.memory_space<hbm>>
      %dma_wait3A_231 = arith.constant 0 : i32
      %dma_wait3A_232 = tpu.memref_slice %arg7[%dma_wait3A_226, %dma_wait3A_231] : memref<2x2048xi32, #tpu.memory_space<vmem>> -> memref<1x2048xi32, #tpu.memory_space<vmem>>
      %dma_wait3A_233 = tpu.memref_squeeze %dma_wait3A_232 : memref<1x2048xi32, #tpu.memory_space<vmem>> -> memref<2048xi32, #tpu.memory_space<vmem>>
      %dma_wait3A_234 = tpu.memref_slice %arg3[%mul3A_225] : memref<262144xi32, #tpu.memory_space<hbm>> -> memref<2048xi32, #tpu.memory_space<hbm>>
      tpu.wait_dma2 semaphore(%arg13 : memref<!tpu.dma_semaphore, #tpu.memory_space<semaphore_mem>>) src(%dma_wait3A_234 : memref<2048xi32, #tpu.memory_space<hbm>>) dst(%dma_wait3A_233 : memref<2048xi32, #tpu.memory_space<vmem>>)
      %ge3A_235 = arith.constant 1 : i32
      %ge3A_236 = arith.cmpi sge, %scan3A_144, %ge3A_235 : i32
      %convert_element_type3A_237 = arith.extui %ge3A_236 : i1 to i32
      %cond3A_238 = arith.constant 0 : i32
      %cond3A_239 = arith.cmpi ne, %convert_element_type3A_237, %cond3A_238 : i32
      scf.if %cond3A_239 {
        %sub3A = arith.constant 2 : i32
        %sub3A_300 = arith.subi %add3A_223, %sub3A : i32
        %mul3A_301 = arith.constant 2048 : i32
        %mul3A_302 = arith.muli %sub3A_300, %mul3A_301 : i32
        %mul3A_303 = arith.constant 2048 : i32
        %mul3A_304 = arith.muli %sub3A_300, %mul3A_303 : i32
        %mul3A_305 = arith.constant 2048 : i32
        %mul3A_306 = arith.muli %sub3A_300, %mul3A_305 : i32
        %mul3A_307 = arith.constant 2048 : i32
        %mul3A_308 = arith.muli %sub3A_300, %mul3A_307 : i32
        %dma_wait3A_309 = arith.constant 1 : i32
        %dma_wait3A_310 = arith.constant 0 : i32
        %dma_wait3A_311 = tpu.memref_slice %arg8[%dma_wait3A_309, %dma_wait3A_310] : memref<2x2048xf32, #tpu.memory_space<vmem>> -> memref<1x2048xf32, #tpu.memory_space<vmem>>
        %dma_wait3A_312 = tpu.memref_squeeze %dma_wait3A_311 : memref<1x2048xf32, #tpu.memory_space<vmem>> -> memref<2048xf32, #tpu.memory_space<vmem>>
        %dma_wait3A_313 = tpu.memref_slice %arg4[%mul3A_2, %mul3A_302] : memref<128x262144xf32, #tpu.memory_space<hbm>> -> memref<1x2048xf32, #tpu.memory_space<hbm>>
        %dma_wait3A_314 = tpu.memref_squeeze %dma_wait3A_313 : memref<1x2048xf32, #tpu.memory_space<hbm>> -> memref<2048xf32, #tpu.memory_space<hbm>>
        %dma_wait3A_315 = tpu.memref_slice %arg4[%mul3A_2, %mul3A_302] : memref<128x262144xf32, #tpu.memory_space<hbm>> -> memref<1x2048xf32, #tpu.memory_space<hbm>>
        %dma_wait3A_316 = tpu.memref_squeeze %dma_wait3A_315 : memref<1x2048xf32, #tpu.memory_space<hbm>> -> memref<2048xf32, #tpu.memory_space<hbm>>
        %dma_wait3A_317 = arith.constant 0 : i32
        %dma_wait3A_318 = tpu.memref_slice %arg8[%dma_wait3A_309, %dma_wait3A_317] : memref<2x2048xf32, #tpu.memory_space<vmem>> -> memref<1x2048xf32, #tpu.memory_space<vmem>>
        %dma_wait3A_319 = tpu.memref_squeeze %dma_wait3A_318 : memref<1x2048xf32, #tpu.memory_space<vmem>> -> memref<2048xf32, #tpu.memory_space<vmem>>
        tpu.wait_dma2 semaphore(%arg15 : memref<!tpu.dma_semaphore, #tpu.memory_space<semaphore_mem>>) src(%dma_wait3A_319 : memref<2048xf32, #tpu.memory_space<vmem>>) dst(%dma_wait3A_316 : memref<2048xf32, #tpu.memory_space<hbm>>)
        %dma_wait3A_320 = arith.constant 1 : i32
        %dma_wait3A_321 = arith.constant 0 : i32
        %dma_wait3A_322 = tpu.memref_slice %arg9[%dma_wait3A_320, %dma_wait3A_321] : memref<2x2048xf32, #tpu.memory_space<vmem>> -> memref<1x2048xf32, #tpu.memory_space<vmem>>
        %dma_wait3A_323 = tpu.memref_squeeze %dma_wait3A_322 : memref<1x2048xf32, #tpu.memory_space<vmem>> -> memref<2048xf32, #tpu.memory_space<vmem>>
        %dma_wait3A_324 = tpu.memref_slice %arg4[%add3A_4, %mul3A_304] : memref<128x262144xf32, #tpu.memory_space<hbm>> -> memref<1x2048xf32, #tpu.memory_space<hbm>>
        %dma_wait3A_325 = tpu.memref_squeeze %dma_wait3A_324 : memref<1x2048xf32, #tpu.memory_space<hbm>> -> memref<2048xf32, #tpu.memory_space<hbm>>
        %dma_wait3A_326 = tpu.memref_slice %arg4[%add3A_4, %mul3A_304] : memref<128x262144xf32, #tpu.memory_space<hbm>> -> memref<1x2048xf32, #tpu.memory_space<hbm>>
        %dma_wait3A_327 = tpu.memref_squeeze %dma_wait3A_326 : memref<1x2048xf32, #tpu.memory_space<hbm>> -> memref<2048xf32, #tpu.memory_space<hbm>>
        %dma_wait3A_328 = arith.constant 0 : i32
        %dma_wait3A_329 = tpu.memref_slice %arg9[%dma_wait3A_320, %dma_wait3A_328] : memref<2x2048xf32, #tpu.memory_space<vmem>> -> memref<1x2048xf32, #tpu.memory_space<vmem>>
        %dma_wait3A_330 = tpu.memref_squeeze %dma_wait3A_329 : memref<1x2048xf32, #tpu.memory_space<vmem>> -> memref<2048xf32, #tpu.memory_space<vmem>>
        tpu.wait_dma2 semaphore(%arg15 : memref<!tpu.dma_semaphore, #tpu.memory_space<semaphore_mem>>) src(%dma_wait3A_330 : memref<2048xf32, #tpu.memory_space<vmem>>) dst(%dma_wait3A_327 : memref<2048xf32, #tpu.memory_space<hbm>>)
        %dma_wait3A_331 = arith.constant 1 : i32
        %dma_wait3A_332 = arith.constant 0 : i32
        %dma_wait3A_333 = tpu.memref_slice %arg10[%dma_wait3A_331, %dma_wait3A_332] : memref<2x2048xf32, #tpu.memory_space<vmem>> -> memref<1x2048xf32, #tpu.memory_space<vmem>>
        %dma_wait3A_334 = tpu.memref_squeeze %dma_wait3A_333 : memref<1x2048xf32, #tpu.memory_space<vmem>> -> memref<2048xf32, #tpu.memory_space<vmem>>
        %dma_wait3A_335 = tpu.memref_slice %arg4[%add3A_6, %mul3A_306] : memref<128x262144xf32, #tpu.memory_space<hbm>> -> memref<1x2048xf32, #tpu.memory_space<hbm>>
        %dma_wait3A_336 = tpu.memref_squeeze %dma_wait3A_335 : memref<1x2048xf32, #tpu.memory_space<hbm>> -> memref<2048xf32, #tpu.memory_space<hbm>>
        %dma_wait3A_337 = tpu.memref_slice %arg4[%add3A_6, %mul3A_306] : memref<128x262144xf32, #tpu.memory_space<hbm>> -> memref<1x2048xf32, #tpu.memory_space<hbm>>
        %dma_wait3A_338 = tpu.memref_squeeze %dma_wait3A_337 : memref<1x2048xf32, #tpu.memory_space<hbm>> -> memref<2048xf32, #tpu.memory_space<hbm>>
        %dma_wait3A_339 = arith.constant 0 : i32
        %dma_wait3A_340 = tpu.memref_slice %arg10[%dma_wait3A_331, %dma_wait3A_339] : memref<2x2048xf32, #tpu.memory_space<vmem>> -> memref<1x2048xf32, #tpu.memory_space<vmem>>
        %dma_wait3A_341 = tpu.memref_squeeze %dma_wait3A_340 : memref<1x2048xf32, #tpu.memory_space<vmem>> -> memref<2048xf32, #tpu.memory_space<vmem>>
        tpu.wait_dma2 semaphore(%arg15 : memref<!tpu.dma_semaphore, #tpu.memory_space<semaphore_mem>>) src(%dma_wait3A_341 : memref<2048xf32, #tpu.memory_space<vmem>>) dst(%dma_wait3A_338 : memref<2048xf32, #tpu.memory_space<hbm>>)
        %dma_wait3A_342 = arith.constant 1 : i32
        %dma_wait3A_343 = arith.constant 0 : i32
        %dma_wait3A_344 = tpu.memref_slice %arg11[%dma_wait3A_342, %dma_wait3A_343] : memref<2x2048xf32, #tpu.memory_space<vmem>> -> memref<1x2048xf32, #tpu.memory_space<vmem>>
        %dma_wait3A_345 = tpu.memref_squeeze %dma_wait3A_344 : memref<1x2048xf32, #tpu.memory_space<vmem>> -> memref<2048xf32, #tpu.memory_space<vmem>>
        %dma_wait3A_346 = tpu.memref_slice %arg4[%add3A_10, %mul3A_308] : memref<128x262144xf32, #tpu.memory_space<hbm>> -> memref<1x2048xf32, #tpu.memory_space<hbm>>
        %dma_wait3A_347 = tpu.memref_squeeze %dma_wait3A_346 : memref<1x2048xf32, #tpu.memory_space<hbm>> -> memref<2048xf32, #tpu.memory_space<hbm>>
        %dma_wait3A_348 = tpu.memref_slice %arg4[%add3A_10, %mul3A_308] : memref<128x262144xf32, #tpu.memory_space<hbm>> -> memref<1x2048xf32, #tpu.memory_space<hbm>>
        %dma_wait3A_349 = tpu.memref_squeeze %dma_wait3A_348 : memref<1x2048xf32, #tpu.memory_space<hbm>> -> memref<2048xf32, #tpu.memory_space<hbm>>
        %dma_wait3A_350 = arith.constant 0 : i32
        %dma_wait3A_351 = tpu.memref_slice %arg11[%dma_wait3A_342, %dma_wait3A_350] : memref<2x2048xf32, #tpu.memory_space<vmem>> -> memref<1x2048xf32, #tpu.memory_space<vmem>>
        %dma_wait3A_352 = tpu.memref_squeeze %dma_wait3A_351 : memref<1x2048xf32, #tpu.memory_space<vmem>> -> memref<2048xf32, #tpu.memory_space<vmem>>
        tpu.wait_dma2 semaphore(%arg15 : memref<!tpu.dma_semaphore, #tpu.memory_space<semaphore_mem>>) src(%dma_wait3A_352 : memref<2048xf32, #tpu.memory_space<vmem>>) dst(%dma_wait3A_349 : memref<2048xf32, #tpu.memory_space<hbm>>)
      } else {
      }
      %parallel_loop3A_240 = arith.constant 0 : i32
      %parallel_loop3A_241 = arith.constant 128 : i32
      %parallel_loop3A_242 = arith.constant 1 : i32
      scf.for %parallel_loop3A_300 = %parallel_loop3A_240 to %parallel_loop3A_241 step %parallel_loop3A_242  : i32 {
        %parallel_loop3A_301 = arith.constant 16 : i32
        %parallel_loop3A_302 = arith.muli %parallel_loop3A_300, %parallel_loop3A_301 : i32
        %parallel_loop3A_303 = arith.constant 1 : i32
        %parallel_loop3A_304 = arith.index_cast %parallel_loop3A_303 : i32 to index
        %parallel_loop3A_305 = arith.index_cast %parallel_loop3A_302 : i32 to index
        %parallel_loop3A_306 = tpu.vector_load %arg7[%parallel_loop3A_304, %parallel_loop3A_305] {strides = array<i32>} : memref<2x2048xi32, #tpu.memory_space<vmem>>, vector<16xi32>,
        %parallel_loop3A_307 = arith.constant 65535 : i32
        %parallel_loop3A_308 = vector.broadcast %parallel_loop3A_307 : i32 to vector<16xi32>
        %parallel_loop3A_309 = arith.andi %parallel_loop3A_306, %parallel_loop3A_308 : vector<16xi32>
        %parallel_loop3A_310 = arith.constant -65536 : i32
        %parallel_loop3A_311 = vector.broadcast %parallel_loop3A_310 : i32 to vector<16xi32>
        %parallel_loop3A_312 = arith.andi %parallel_loop3A_306, %parallel_loop3A_311 : vector<16xi32>
        %parallel_loop3A_313 = vector.bitcast %parallel_loop3A_312 : vector<16xi32> to vector<16xf32>
        %parallel_loop3A_314 = tpu.vector_load_idx %arg5[%parallel_loop3A_309] : memref<30720xi32, #tpu.memory_space<vmem>>[vector<16xi32>], vector<16xi32>,
        %parallel_loop3A_315 = arith.constant 16 : i32
        %parallel_loop3A_316 = vector.broadcast %parallel_loop3A_315 : i32 to vector<16xi32>
        %parallel_loop3A_317 = arith.shli %parallel_loop3A_314, %parallel_loop3A_316 : vector<16xi32>
        %parallel_loop3A_318 = vector.bitcast %parallel_loop3A_317 : vector<16xi32> to vector<16xf32>
        %parallel_loop3A_319 = arith.constant -65536 : i32
        %parallel_loop3A_320 = vector.broadcast %parallel_loop3A_319 : i32 to vector<16xi32>
        %parallel_loop3A_321 = arith.andi %parallel_loop3A_314, %parallel_loop3A_320 : vector<16xi32>
        %parallel_loop3A_322 = vector.bitcast %parallel_loop3A_321 : vector<16xi32> to vector<16xf32>
        %parallel_loop3A_323 = arith.mulf %parallel_loop3A_318, %parallel_loop3A_313 : vector<16xf32>
        %parallel_loop3A_324 = arith.constant 1 : i32
        %parallel_loop3A_325 = arith.index_cast %parallel_loop3A_324 : i32 to index
        %parallel_loop3A_326 = arith.index_cast %parallel_loop3A_302 : i32 to index
        %parallel_loop3A_327 = tpu.vector_load %arg8[%parallel_loop3A_325, %parallel_loop3A_326] {strides = array<i32>} : memref<2x2048xf32, #tpu.memory_space<vmem>>, vector<16xf32>,
        tpu.vector_store %arg8[%parallel_loop3A_325, %parallel_loop3A_326], %parallel_loop3A_323 {strides = array<i32>} : memref<2x2048xf32, #tpu.memory_space<vmem>>, vector<16xf32>,
        %parallel_loop3A_328 = arith.mulf %parallel_loop3A_322, %parallel_loop3A_313 : vector<16xf32>
        %parallel_loop3A_329 = arith.constant 1 : i32
        %parallel_loop3A_330 = arith.index_cast %parallel_loop3A_329 : i32 to index
        %parallel_loop3A_331 = arith.index_cast %parallel_loop3A_302 : i32 to index
        %parallel_loop3A_332 = tpu.vector_load %arg10[%parallel_loop3A_330, %parallel_loop3A_331] {strides = array<i32>} : memref<2x2048xf32, #tpu.memory_space<vmem>>, vector<16xf32>,
        tpu.vector_store %arg10[%parallel_loop3A_330, %parallel_loop3A_331], %parallel_loop3A_328 {strides = array<i32>} : memref<2x2048xf32, #tpu.memory_space<vmem>>, vector<16xf32>,
        %parallel_loop3A_333 = tpu.vector_load_idx %arg6[%parallel_loop3A_309] : memref<30720xi32, #tpu.memory_space<vmem>>[vector<16xi32>], vector<16xi32>,
        %parallel_loop3A_334 = arith.constant 16 : i32
        %parallel_loop3A_335 = vector.broadcast %parallel_loop3A_334 : i32 to vector<16xi32>
        %parallel_loop3A_336 = arith.shli %parallel_loop3A_333, %parallel_loop3A_335 : vector<16xi32>
        %parallel_loop3A_337 = vector.bitcast %parallel_loop3A_336 : vector<16xi32> to vector<16xf32>
        %parallel_loop3A_338 = arith.constant -65536 : i32
        %parallel_loop3A_339 = vector.broadcast %parallel_loop3A_338 : i32 to vector<16xi32>
        %parallel_loop3A_340 = arith.andi %parallel_loop3A_333, %parallel_loop3A_339 : vector<16xi32>
        %parallel_loop3A_341 = vector.bitcast %parallel_loop3A_340 : vector<16xi32> to vector<16xf32>
        %parallel_loop3A_342 = arith.mulf %parallel_loop3A_337, %parallel_loop3A_313 : vector<16xf32>
        %parallel_loop3A_343 = arith.constant 1 : i32
        %parallel_loop3A_344 = arith.index_cast %parallel_loop3A_343 : i32 to index
        %parallel_loop3A_345 = arith.index_cast %parallel_loop3A_302 : i32 to index
        %parallel_loop3A_346 = tpu.vector_load %arg9[%parallel_loop3A_344, %parallel_loop3A_345] {strides = array<i32>} : memref<2x2048xf32, #tpu.memory_space<vmem>>, vector<16xf32>,
        tpu.vector_store %arg9[%parallel_loop3A_344, %parallel_loop3A_345], %parallel_loop3A_342 {strides = array<i32>} : memref<2x2048xf32, #tpu.memory_space<vmem>>, vector<16xf32>,
        %parallel_loop3A_347 = arith.mulf %parallel_loop3A_341, %parallel_loop3A_313 : vector<16xf32>
        %parallel_loop3A_348 = arith.constant 1 : i32
        %parallel_loop3A_349 = arith.index_cast %parallel_loop3A_348 : i32 to index
        %parallel_loop3A_350 = arith.index_cast %parallel_loop3A_302 : i32 to index
        %parallel_loop3A_351 = tpu.vector_load %arg11[%parallel_loop3A_349, %parallel_loop3A_350] {strides = array<i32>} : memref<2x2048xf32, #tpu.memory_space<vmem>>, vector<16xf32>,
        tpu.vector_store %arg11[%parallel_loop3A_349, %parallel_loop3A_350], %parallel_loop3A_347 {strides = array<i32>} : memref<2x2048xf32, #tpu.memory_space<vmem>>, vector<16xf32>,
      } {sc.loop_unroll_factor = 8 : i64, sc.parallel_access}
      %mul3A_243 = arith.constant 2048 : i32
      %mul3A_244 = arith.muli %add3A_223, %mul3A_243 : i32
      %mul3A_245 = arith.constant 2048 : i32
      %mul3A_246 = arith.muli %add3A_223, %mul3A_245 : i32
      %mul3A_247 = arith.constant 2048 : i32
      %mul3A_248 = arith.muli %add3A_223, %mul3A_247 : i32
      %mul3A_249 = arith.constant 2048 : i32
      %mul3A_250 = arith.muli %add3A_223, %mul3A_249 : i32
      %dma_start3A_251 = arith.constant 1 : i32
      %dma_start3A_252 = arith.constant 0 : i32
      %dma_start3A_253 = tpu.memref_slice %arg8[%dma_start3A_251, %dma_start3A_252] : memref<2x2048xf32, #tpu.memory_space<vmem>> -> memref<1x2048xf32, #tpu.memory_space<vmem>>
      %dma_start3A_254 = tpu.memref_squeeze %dma_start3A_253 : memref<1x2048xf32, #tpu.memory_space<vmem>> -> memref<2048xf32, #tpu.memory_space<vmem>>
      %dma_start3A_255 = tpu.memref_slice %arg4[%mul3A_2, %mul3A_244] : memref<128x262144xf32, #tpu.memory_space<hbm>> -> memref<1x2048xf32, #tpu.memory_space<hbm>>
      %dma_start3A_256 = tpu.memref_squeeze %dma_start3A_255 : memref<1x2048xf32, #tpu.memory_space<hbm>> -> memref<2048xf32, #tpu.memory_space<hbm>>
      %dma_start3A_257 = tpu.memref_slice %arg4[%mul3A_2, %mul3A_244] : memref<128x262144xf32, #tpu.memory_space<hbm>> -> memref<1x2048xf32, #tpu.memory_space<hbm>>
      %dma_start3A_258 = tpu.memref_squeeze %dma_start3A_257 : memref<1x2048xf32, #tpu.memory_space<hbm>> -> memref<2048xf32, #tpu.memory_space<hbm>>
      %dma_start3A_259 = arith.constant 0 : i32
      %dma_start3A_260 = tpu.memref_slice %arg8[%dma_start3A_251, %dma_start3A_259] : memref<2x2048xf32, #tpu.memory_space<vmem>> -> memref<1x2048xf32, #tpu.memory_space<vmem>>
      %dma_start3A_261 = tpu.memref_squeeze %dma_start3A_260 : memref<1x2048xf32, #tpu.memory_space<vmem>> -> memref<2048xf32, #tpu.memory_space<vmem>>
      tpu.enqueue_dma source(%dma_start3A_261 : memref<2048xf32, #tpu.memory_space<vmem>>) target(%dma_start3A_258 : memref<2048xf32, #tpu.memory_space<hbm>>) target_semaphore(%arg15 : memref<!tpu.dma_semaphore, #tpu.memory_space<semaphore_mem>>)
      %dma_start3A_262 = arith.constant 1 : i32
      %dma_start3A_263 = arith.constant 0 : i32
      %dma_start3A_264 = tpu.memref_slice %arg9[%dma_start3A_262, %dma_start3A_263] : memref<2x2048xf32, #tpu.memory_space<vmem>> -> memref<1x2048xf32, #tpu.memory_space<vmem>>
      %dma_start3A_265 = tpu.memref_squeeze %dma_start3A_264 : memref<1x2048xf32, #tpu.memory_space<vmem>> -> memref<2048xf32, #tpu.memory_space<vmem>>
      %dma_start3A_266 = tpu.memref_slice %arg4[%add3A_4, %mul3A_246] : memref<128x262144xf32, #tpu.memory_space<hbm>> -> memref<1x2048xf32, #tpu.memory_space<hbm>>
      %dma_start3A_267 = tpu.memref_squeeze %dma_start3A_266 : memref<1x2048xf32, #tpu.memory_space<hbm>> -> memref<2048xf32, #tpu.memory_space<hbm>>
      %dma_start3A_268 = tpu.memref_slice %arg4[%add3A_4, %mul3A_246] : memref<128x262144xf32, #tpu.memory_space<hbm>> -> memref<1x2048xf32, #tpu.memory_space<hbm>>
      %dma_start3A_269 = tpu.memref_squeeze %dma_start3A_268 : memref<1x2048xf32, #tpu.memory_space<hbm>> -> memref<2048xf32, #tpu.memory_space<hbm>>
      %dma_start3A_270 = arith.constant 0 : i32
      %dma_start3A_271 = tpu.memref_slice %arg9[%dma_start3A_262, %dma_start3A_270] : memref<2x2048xf32, #tpu.memory_space<vmem>> -> memref<1x2048xf32, #tpu.memory_space<vmem>>
      %dma_start3A_272 = tpu.memref_squeeze %dma_start3A_271 : memref<1x2048xf32, #tpu.memory_space<vmem>> -> memref<2048xf32, #tpu.memory_space<vmem>>
      tpu.enqueue_dma source(%dma_start3A_272 : memref<2048xf32, #tpu.memory_space<vmem>>) target(%dma_start3A_269 : memref<2048xf32, #tpu.memory_space<hbm>>) target_semaphore(%arg15 : memref<!tpu.dma_semaphore, #tpu.memory_space<semaphore_mem>>)
      %dma_start3A_273 = arith.constant 1 : i32
      %dma_start3A_274 = arith.constant 0 : i32
      %dma_start3A_275 = tpu.memref_slice %arg10[%dma_start3A_273, %dma_start3A_274] : memref<2x2048xf32, #tpu.memory_space<vmem>> -> memref<1x2048xf32, #tpu.memory_space<vmem>>
      %dma_start3A_276 = tpu.memref_squeeze %dma_start3A_275 : memref<1x2048xf32, #tpu.memory_space<vmem>> -> memref<2048xf32, #tpu.memory_space<vmem>>
      %dma_start3A_277 = tpu.memref_slice %arg4[%add3A_6, %mul3A_248] : memref<128x262144xf32, #tpu.memory_space<hbm>> -> memref<1x2048xf32, #tpu.memory_space<hbm>>
      %dma_start3A_278 = tpu.memref_squeeze %dma_start3A_277 : memref<1x2048xf32, #tpu.memory_space<hbm>> -> memref<2048xf32, #tpu.memory_space<hbm>>
      %dma_start3A_279 = tpu.memref_slice %arg4[%add3A_6, %mul3A_248] : memref<128x262144xf32, #tpu.memory_space<hbm>> -> memref<1x2048xf32, #tpu.memory_space<hbm>>
      %dma_start3A_280 = tpu.memref_squeeze %dma_start3A_279 : memref<1x2048xf32, #tpu.memory_space<hbm>> -> memref<2048xf32, #tpu.memory_space<hbm>>
      %dma_start3A_281 = arith.constant 0 : i32
      %dma_start3A_282 = tpu.memref_slice %arg10[%dma_start3A_273, %dma_start3A_281] : memref<2x2048xf32, #tpu.memory_space<vmem>> -> memref<1x2048xf32, #tpu.memory_space<vmem>>
      %dma_start3A_283 = tpu.memref_squeeze %dma_start3A_282 : memref<1x2048xf32, #tpu.memory_space<vmem>> -> memref<2048xf32, #tpu.memory_space<vmem>>
      tpu.enqueue_dma source(%dma_start3A_283 : memref<2048xf32, #tpu.memory_space<vmem>>) target(%dma_start3A_280 : memref<2048xf32, #tpu.memory_space<hbm>>) target_semaphore(%arg15 : memref<!tpu.dma_semaphore, #tpu.memory_space<semaphore_mem>>)
      %dma_start3A_284 = arith.constant 1 : i32
      %dma_start3A_285 = arith.constant 0 : i32
      %dma_start3A_286 = tpu.memref_slice %arg11[%dma_start3A_284, %dma_start3A_285] : memref<2x2048xf32, #tpu.memory_space<vmem>> -> memref<1x2048xf32, #tpu.memory_space<vmem>>
      %dma_start3A_287 = tpu.memref_squeeze %dma_start3A_286 : memref<1x2048xf32, #tpu.memory_space<vmem>> -> memref<2048xf32, #tpu.memory_space<vmem>>
      %dma_start3A_288 = tpu.memref_slice %arg4[%add3A_10, %mul3A_250] : memref<128x262144xf32, #tpu.memory_space<hbm>> -> memref<1x2048xf32, #tpu.memory_space<hbm>>
      %dma_start3A_289 = tpu.memref_squeeze %dma_start3A_288 : memref<1x2048xf32, #tpu.memory_space<hbm>> -> memref<2048xf32, #tpu.memory_space<hbm>>
      %dma_start3A_290 = tpu.memref_slice %arg4[%add3A_10, %mul3A_250] : memref<128x262144xf32, #tpu.memory_space<hbm>> -> memref<1x2048xf32, #tpu.memory_space<hbm>>
      %dma_start3A_291 = tpu.memref_squeeze %dma_start3A_290 : memref<1x2048xf32, #tpu.memory_space<hbm>> -> memref<2048xf32, #tpu.memory_space<hbm>>
      %dma_start3A_292 = arith.constant 0 : i32
      %dma_start3A_293 = tpu.memref_slice %arg11[%dma_start3A_284, %dma_start3A_292] : memref<2x2048xf32, #tpu.memory_space<vmem>> -> memref<1x2048xf32, #tpu.memory_space<vmem>>
      %dma_start3A_294 = tpu.memref_squeeze %dma_start3A_293 : memref<1x2048xf32, #tpu.memory_space<vmem>> -> memref<2048xf32, #tpu.memory_space<vmem>>
      tpu.enqueue_dma source(%dma_start3A_294 : memref<2048xf32, #tpu.memory_space<vmem>>) target(%dma_start3A_291 : memref<2048xf32, #tpu.memory_space<hbm>>) target_semaphore(%arg15 : memref<!tpu.dma_semaphore, #tpu.memory_space<semaphore_mem>>)
      %lt3A_295 = arith.constant 63 : i32
      %lt3A_296 = arith.cmpi slt, %scan3A_144, %lt3A_295 : i32
      %convert_element_type3A_297 = arith.extui %lt3A_296 : i1 to i32
      %cond3A_298 = arith.constant 0 : i32
      %cond3A_299 = arith.cmpi ne, %convert_element_type3A_297, %cond3A_298 : i32
      scf.if %cond3A_299 {
        %add3A_300 = arith.constant 2 : i32
        %add3A_301 = arith.addi %add3A_223, %add3A_300 : i32
        %mul3A_302 = arith.constant 2048 : i32
        %mul3A_303 = arith.muli %add3A_301, %mul3A_302 : i32
        %dma_start3A_304 = arith.constant 1 : i32
        %dma_start3A_305 = arith.constant 0 : i32
        %dma_start3A_306 = tpu.memref_slice %arg7[%dma_start3A_304, %dma_start3A_305] : memref<2x2048xi32, #tpu.memory_space<vmem>> -> memref<1x2048xi32, #tpu.memory_space<vmem>>
        %dma_start3A_307 = tpu.memref_squeeze %dma_start3A_306 : memref<1x2048xi32, #tpu.memory_space<vmem>> -> memref<2048xi32, #tpu.memory_space<vmem>>
        %dma_start3A_308 = tpu.memref_slice %arg3[%mul3A_303] : memref<262144xi32, #tpu.memory_space<hbm>> -> memref<2048xi32, #tpu.memory_space<hbm>>
        %dma_start3A_309 = arith.constant 0 : i32
        %dma_start3A_310 = tpu.memref_slice %arg7[%dma_start3A_304, %dma_start3A_309] : memref<2x2048xi32, #tpu.memory_space<vmem>> -> memref<1x2048xi32, #tpu.memory_space<vmem>>
        %dma_start3A_311 = tpu.memref_squeeze %dma_start3A_310 : memref<1x2048xi32, #tpu.memory_space<vmem>> -> memref<2048xi32, #tpu.memory_space<vmem>>
        %dma_start3A_312 = tpu.memref_slice %arg3[%mul3A_303] : memref<262144xi32, #tpu.memory_space<hbm>> -> memref<2048xi32, #tpu.memory_space<hbm>>
        tpu.enqueue_dma source(%dma_start3A_312 : memref<2048xi32, #tpu.memory_space<hbm>>) target(%dma_start3A_311 : memref<2048xi32, #tpu.memory_space<vmem>>) target_semaphore(%arg13 : memref<!tpu.dma_semaphore, #tpu.memory_space<semaphore_mem>>)
      } else {
      }
    }
    %scan3A_40 = arith.constant 64 : i32
    %dma_wait3A = arith.constant 0 : i32
    %dma_wait3A_41 = arith.constant 0 : i32
    %dma_wait3A_42 = tpu.memref_slice %arg8[%dma_wait3A, %dma_wait3A_41] : memref<2x2048xf32, #tpu.memory_space<vmem>> -> memref<1x2048xf32, #tpu.memory_space<vmem>>
    %dma_wait3A_43 = tpu.memref_squeeze %dma_wait3A_42 : memref<1x2048xf32, #tpu.memory_space<vmem>> -> memref<2048xf32, #tpu.memory_space<vmem>>
    %dma_wait3A_44 = arith.constant 258048 : i32
    %dma_wait3A_45 = tpu.memref_slice %arg4[%mul3A_2, %dma_wait3A_44] : memref<128x262144xf32, #tpu.memory_space<hbm>> -> memref<1x2048xf32, #tpu.memory_space<hbm>>
    %dma_wait3A_46 = tpu.memref_squeeze %dma_wait3A_45 : memref<1x2048xf32, #tpu.memory_space<hbm>> -> memref<2048xf32, #tpu.memory_space<hbm>>
    %dma_wait3A_47 = arith.constant 258048 : i32
    %dma_wait3A_48 = tpu.memref_slice %arg4[%mul3A_2, %dma_wait3A_47] : memref<128x262144xf32, #tpu.memory_space<hbm>> -> memref<1x2048xf32, #tpu.memory_space<hbm>>
    %dma_wait3A_49 = tpu.memref_squeeze %dma_wait3A_48 : memref<1x2048xf32, #tpu.memory_space<hbm>> -> memref<2048xf32, #tpu.memory_space<hbm>>
    %dma_wait3A_50 = arith.constant 0 : i32
    %dma_wait3A_51 = tpu.memref_slice %arg8[%dma_wait3A, %dma_wait3A_50] : memref<2x2048xf32, #tpu.memory_space<vmem>> -> memref<1x2048xf32, #tpu.memory_space<vmem>>
    %dma_wait3A_52 = tpu.memref_squeeze %dma_wait3A_51 : memref<1x2048xf32, #tpu.memory_space<vmem>> -> memref<2048xf32, #tpu.memory_space<vmem>>
    tpu.wait_dma2 semaphore(%arg14 : memref<!tpu.dma_semaphore, #tpu.memory_space<semaphore_mem>>) src(%dma_wait3A_52 : memref<2048xf32, #tpu.memory_space<vmem>>) dst(%dma_wait3A_49 : memref<2048xf32, #tpu.memory_space<hbm>>)
    %dma_wait3A_53 = arith.constant 0 : i32
    %dma_wait3A_54 = arith.constant 0 : i32
    %dma_wait3A_55 = tpu.memref_slice %arg9[%dma_wait3A_53, %dma_wait3A_54] : memref<2x2048xf32, #tpu.memory_space<vmem>> -> memref<1x2048xf32, #tpu.memory_space<vmem>>
    %dma_wait3A_56 = tpu.memref_squeeze %dma_wait3A_55 : memref<1x2048xf32, #tpu.memory_space<vmem>> -> memref<2048xf32, #tpu.memory_space<vmem>>
    %dma_wait3A_57 = arith.constant 258048 : i32
    %dma_wait3A_58 = tpu.memref_slice %arg4[%add3A_4, %dma_wait3A_57] : memref<128x262144xf32, #tpu.memory_space<hbm>> -> memref<1x2048xf32, #tpu.memory_space<hbm>>
    %dma_wait3A_59 = tpu.memref_squeeze %dma_wait3A_58 : memref<1x2048xf32, #tpu.memory_space<hbm>> -> memref<2048xf32, #tpu.memory_space<hbm>>
    %dma_wait3A_60 = arith.constant 258048 : i32
    %dma_wait3A_61 = tpu.memref_slice %arg4[%add3A_4, %dma_wait3A_60] : memref<128x262144xf32, #tpu.memory_space<hbm>> -> memref<1x2048xf32, #tpu.memory_space<hbm>>
    %dma_wait3A_62 = tpu.memref_squeeze %dma_wait3A_61 : memref<1x2048xf32, #tpu.memory_space<hbm>> -> memref<2048xf32, #tpu.memory_space<hbm>>
    %dma_wait3A_63 = arith.constant 0 : i32
    %dma_wait3A_64 = tpu.memref_slice %arg9[%dma_wait3A_53, %dma_wait3A_63] : memref<2x2048xf32, #tpu.memory_space<vmem>> -> memref<1x2048xf32, #tpu.memory_space<vmem>>
    %dma_wait3A_65 = tpu.memref_squeeze %dma_wait3A_64 : memref<1x2048xf32, #tpu.memory_space<vmem>> -> memref<2048xf32, #tpu.memory_space<vmem>>
    tpu.wait_dma2 semaphore(%arg14 : memref<!tpu.dma_semaphore, #tpu.memory_space<semaphore_mem>>) src(%dma_wait3A_65 : memref<2048xf32, #tpu.memory_space<vmem>>) dst(%dma_wait3A_62 : memref<2048xf32, #tpu.memory_space<hbm>>)
    %dma_wait3A_66 = arith.constant 0 : i32
    %dma_wait3A_67 = arith.constant 0 : i32
    %dma_wait3A_68 = tpu.memref_slice %arg10[%dma_wait3A_66, %dma_wait3A_67] : memref<2x2048xf32, #tpu.memory_space<vmem>> -> memref<1x2048xf32, #tpu.memory_space<vmem>>
    %dma_wait3A_69 = tpu.memref_squeeze %dma_wait3A_68 : memref<1x2048xf32, #tpu.memory_space<vmem>> -> memref<2048xf32, #tpu.memory_space<vmem>>
    %dma_wait3A_70 = arith.constant 258048 : i32
    %dma_wait3A_71 = tpu.memref_slice %arg4[%add3A_6, %dma_wait3A_70] : memref<128x262144xf32, #tpu.memory_space<hbm>> -> memref<1x2048xf32, #tpu.memory_space<hbm>>
    %dma_wait3A_72 = tpu.memref_squeeze %dma_wait3A_71 : memref<1x2048xf32, #tpu.memory_space<hbm>> -> memref<2048xf32, #tpu.memory_space<hbm>>
    %dma_wait3A_73 = arith.constant 258048 : i32
    %dma_wait3A_74 = tpu.memref_slice %arg4[%add3A_6, %dma_wait3A_73] : memref<128x262144xf32, #tpu.memory_space<hbm>> -> memref<1x2048xf32, #tpu.memory_space<hbm>>
    %dma_wait3A_75 = tpu.memref_squeeze %dma_wait3A_74 : memref<1x2048xf32, #tpu.memory_space<hbm>> -> memref<2048xf32, #tpu.memory_space<hbm>>
    %dma_wait3A_76 = arith.constant 0 : i32
    %dma_wait3A_77 = tpu.memref_slice %arg10[%dma_wait3A_66, %dma_wait3A_76] : memref<2x2048xf32, #tpu.memory_space<vmem>> -> memref<1x2048xf32, #tpu.memory_space<vmem>>
    %dma_wait3A_78 = tpu.memref_squeeze %dma_wait3A_77 : memref<1x2048xf32, #tpu.memory_space<vmem>> -> memref<2048xf32, #tpu.memory_space<vmem>>
    tpu.wait_dma2 semaphore(%arg14 : memref<!tpu.dma_semaphore, #tpu.memory_space<semaphore_mem>>) src(%dma_wait3A_78 : memref<2048xf32, #tpu.memory_space<vmem>>) dst(%dma_wait3A_75 : memref<2048xf32, #tpu.memory_space<hbm>>)
    %dma_wait3A_79 = arith.constant 0 : i32
    %dma_wait3A_80 = arith.constant 0 : i32
    %dma_wait3A_81 = tpu.memref_slice %arg11[%dma_wait3A_79, %dma_wait3A_80] : memref<2x2048xf32, #tpu.memory_space<vmem>> -> memref<1x2048xf32, #tpu.memory_space<vmem>>
    %dma_wait3A_82 = tpu.memref_squeeze %dma_wait3A_81 : memref<1x2048xf32, #tpu.memory_space<vmem>> -> memref<2048xf32, #tpu.memory_space<vmem>>
    %dma_wait3A_83 = arith.constant 258048 : i32
    %dma_wait3A_84 = tpu.memref_slice %arg4[%add3A_10, %dma_wait3A_83] : memref<128x262144xf32, #tpu.memory_space<hbm>> -> memref<1x2048xf32, #tpu.memory_space<hbm>>
    %dma_wait3A_85 = tpu.memref_squeeze %dma_wait3A_84 : memref<1x2048xf32, #tpu.memory_space<hbm>> -> memref<2048xf32, #tpu.memory_space<hbm>>
    %dma_wait3A_86 = arith.constant 258048 : i32
    %dma_wait3A_87 = tpu.memref_slice %arg4[%add3A_10, %dma_wait3A_86] : memref<128x262144xf32, #tpu.memory_space<hbm>> -> memref<1x2048xf32, #tpu.memory_space<hbm>>
    %dma_wait3A_88 = tpu.memref_squeeze %dma_wait3A_87 : memref<1x2048xf32, #tpu.memory_space<hbm>> -> memref<2048xf32, #tpu.memory_space<hbm>>
    %dma_wait3A_89 = arith.constant 0 : i32
    %dma_wait3A_90 = tpu.memref_slice %arg11[%dma_wait3A_79, %dma_wait3A_89] : memref<2x2048xf32, #tpu.memory_space<vmem>> -> memref<1x2048xf32, #tpu.memory_space<vmem>>
    %dma_wait3A_91 = tpu.memref_squeeze %dma_wait3A_90 : memref<1x2048xf32, #tpu.memory_space<vmem>> -> memref<2048xf32, #tpu.memory_space<vmem>>
    tpu.wait_dma2 semaphore(%arg14 : memref<!tpu.dma_semaphore, #tpu.memory_space<semaphore_mem>>) src(%dma_wait3A_91 : memref<2048xf32, #tpu.memory_space<vmem>>) dst(%dma_wait3A_88 : memref<2048xf32, #tpu.memory_space<hbm>>)
    %dma_wait3A_92 = arith.constant 1 : i32
    %dma_wait3A_93 = arith.constant 0 : i32
    %dma_wait3A_94 = tpu.memref_slice %arg8[%dma_wait3A_92, %dma_wait3A_93] : memref<2x2048xf32, #tpu.memory_space<vmem>> -> memref<1x2048xf32, #tpu.memory_space<vmem>>
    %dma_wait3A_95 = tpu.memref_squeeze %dma_wait3A_94 : memref<1x2048xf32, #tpu.memory_space<vmem>> -> memref<2048xf32, #tpu.memory_space<vmem>>
    %dma_wait3A_96 = arith.constant 260096 : i32
    %dma_wait3A_97 = tpu.memref_slice %arg4[%mul3A_2, %dma_wait3A_96] : memref<128x262144xf32, #tpu.memory_space<hbm>> -> memref<1x2048xf32, #tpu.memory_space<hbm>>
    %dma_wait3A_98 = tpu.memref_squeeze %dma_wait3A_97 : memref<1x2048xf32, #tpu.memory_space<hbm>> -> memref<2048xf32, #tpu.memory_space<hbm>>
    %dma_wait3A_99 = arith.constant 260096 : i32
    %dma_wait3A_100 = tpu.memref_slice %arg4[%mul3A_2, %dma_wait3A_99] : memref<128x262144xf32, #tpu.memory_space<hbm>> -> memref<1x2048xf32, #tpu.memory_space<hbm>>
    %dma_wait3A_101 = tpu.memref_squeeze %dma_wait3A_100 : memref<1x2048xf32, #tpu.memory_space<hbm>> -> memref<2048xf32, #tpu.memory_space<hbm>>
    %dma_wait3A_102 = arith.constant 0 : i32
    %dma_wait3A_103 = tpu.memref_slice %arg8[%dma_wait3A_92, %dma_wait3A_102] : memref<2x2048xf32, #tpu.memory_space<vmem>> -> memref<1x2048xf32, #tpu.memory_space<vmem>>
    %dma_wait3A_104 = tpu.memref_squeeze %dma_wait3A_103 : memref<1x2048xf32, #tpu.memory_space<vmem>> -> memref<2048xf32, #tpu.memory_space<vmem>>
    tpu.wait_dma2 semaphore(%arg15 : memref<!tpu.dma_semaphore, #tpu.memory_space<semaphore_mem>>) src(%dma_wait3A_104 : memref<2048xf32, #tpu.memory_space<vmem>>) dst(%dma_wait3A_101 : memref<2048xf32, #tpu.memory_space<hbm>>)
    %dma_wait3A_105 = arith.constant 1 : i32
    %dma_wait3A_106 = arith.constant 0 : i32
    %dma_wait3A_107 = tpu.memref_slice %arg9[%dma_wait3A_105, %dma_wait3A_106] : memref<2x2048xf32, #tpu.memory_space<vmem>> -> memref<1x2048xf32, #tpu.memory_space<vmem>>
    %dma_wait3A_108 = tpu.memref_squeeze %dma_wait3A_107 : memref<1x2048xf32, #tpu.memory_space<vmem>> -> memref<2048xf32, #tpu.memory_space<vmem>>
    %dma_wait3A_109 = arith.constant 260096 : i32
    %dma_wait3A_110 = tpu.memref_slice %arg4[%add3A_4, %dma_wait3A_109] : memref<128x262144xf32, #tpu.memory_space<hbm>> -> memref<1x2048xf32, #tpu.memory_space<hbm>>
    %dma_wait3A_111 = tpu.memref_squeeze %dma_wait3A_110 : memref<1x2048xf32, #tpu.memory_space<hbm>> -> memref<2048xf32, #tpu.memory_space<hbm>>
    %dma_wait3A_112 = arith.constant 260096 : i32
    %dma_wait3A_113 = tpu.memref_slice %arg4[%add3A_4, %dma_wait3A_112] : memref<128x262144xf32, #tpu.memory_space<hbm>> -> memref<1x2048xf32, #tpu.memory_space<hbm>>
    %dma_wait3A_114 = tpu.memref_squeeze %dma_wait3A_113 : memref<1x2048xf32, #tpu.memory_space<hbm>> -> memref<2048xf32, #tpu.memory_space<hbm>>
    %dma_wait3A_115 = arith.constant 0 : i32
    %dma_wait3A_116 = tpu.memref_slice %arg9[%dma_wait3A_105, %dma_wait3A_115] : memref<2x2048xf32, #tpu.memory_space<vmem>> -> memref<1x2048xf32, #tpu.memory_space<vmem>>
    %dma_wait3A_117 = tpu.memref_squeeze %dma_wait3A_116 : memref<1x2048xf32, #tpu.memory_space<vmem>> -> memref<2048xf32, #tpu.memory_space<vmem>>
    tpu.wait_dma2 semaphore(%arg15 : memref<!tpu.dma_semaphore, #tpu.memory_space<semaphore_mem>>) src(%dma_wait3A_117 : memref<2048xf32, #tpu.memory_space<vmem>>) dst(%dma_wait3A_114 : memref<2048xf32, #tpu.memory_space<hbm>>)
    %dma_wait3A_118 = arith.constant 1 : i32
    %dma_wait3A_119 = arith.constant 0 : i32
    %dma_wait3A_120 = tpu.memref_slice %arg10[%dma_wait3A_118, %dma_wait3A_119] : memref<2x2048xf32, #tpu.memory_space<vmem>> -> memref<1x2048xf32, #tpu.memory_space<vmem>>
    %dma_wait3A_121 = tpu.memref_squeeze %dma_wait3A_120 : memref<1x2048xf32, #tpu.memory_space<vmem>> -> memref<2048xf32, #tpu.memory_space<vmem>>
    %dma_wait3A_122 = arith.constant 260096 : i32
    %dma_wait3A_123 = tpu.memref_slice %arg4[%add3A_6, %dma_wait3A_122] : memref<128x262144xf32, #tpu.memory_space<hbm>> -> memref<1x2048xf32, #tpu.memory_space<hbm>>
    %dma_wait3A_124 = tpu.memref_squeeze %dma_wait3A_123 : memref<1x2048xf32, #tpu.memory_space<hbm>> -> memref<2048xf32, #tpu.memory_space<hbm>>
    %dma_wait3A_125 = arith.constant 260096 : i32
    %dma_wait3A_126 = tpu.memref_slice %arg4[%add3A_6, %dma_wait3A_125] : memref<128x262144xf32, #tpu.memory_space<hbm>> -> memref<1x2048xf32, #tpu.memory_space<hbm>>
    %dma_wait3A_127 = tpu.memref_squeeze %dma_wait3A_126 : memref<1x2048xf32, #tpu.memory_space<hbm>> -> memref<2048xf32, #tpu.memory_space<hbm>>
    %dma_wait3A_128 = arith.constant 0 : i32
    %dma_wait3A_129 = tpu.memref_slice %arg10[%dma_wait3A_118, %dma_wait3A_128] : memref<2x2048xf32, #tpu.memory_space<vmem>> -> memref<1x2048xf32, #tpu.memory_space<vmem>>
    %dma_wait3A_130 = tpu.memref_squeeze %dma_wait3A_129 : memref<1x2048xf32, #tpu.memory_space<vmem>> -> memref<2048xf32, #tpu.memory_space<vmem>>
    tpu.wait_dma2 semaphore(%arg15 : memref<!tpu.dma_semaphore, #tpu.memory_space<semaphore_mem>>) src(%dma_wait3A_130 : memref<2048xf32, #tpu.memory_space<vmem>>) dst(%dma_wait3A_127 : memref<2048xf32, #tpu.memory_space<hbm>>)
    %dma_wait3A_131 = arith.constant 1 : i32
    %dma_wait3A_132 = arith.constant 0 : i32
    %dma_wait3A_133 = tpu.memref_slice %arg11[%dma_wait3A_131, %dma_wait3A_132] : memref<2x2048xf32, #tpu.memory_space<vmem>> -> memref<1x2048xf32, #tpu.memory_space<vmem>>
    %dma_wait3A_134 = tpu.memref_squeeze %dma_wait3A_133 : memref<1x2048xf32, #tpu.memory_space<vmem>> -> memref<2048xf32, #tpu.memory_space<vmem>>
    %dma_wait3A_135 = arith.constant 260096 : i32
    %dma_wait3A_136 = tpu.memref_slice %arg4[%add3A_10, %dma_wait3A_135] : memref<128x262144xf32, #tpu.memory_space<hbm>> -> memref<1x2048xf32, #tpu.memory_space<hbm>>
    %dma_wait3A_137 = tpu.memref_squeeze %dma_wait3A_136 : memref<1x2048xf32, #tpu.memory_space<hbm>> -> memref<2048xf32, #tpu.memory_space<hbm>>
    %dma_wait3A_138 = arith.constant 260096 : i32
    %dma_wait3A_139 = tpu.memref_slice %arg4[%add3A_10, %dma_wait3A_138] : memref<128x262144xf32, #tpu.memory_space<hbm>> -> memref<1x2048xf32, #tpu.memory_space<hbm>>
    %dma_wait3A_140 = tpu.memref_squeeze %dma_wait3A_139 : memref<1x2048xf32, #tpu.memory_space<hbm>> -> memref<2048xf32, #tpu.memory_space<hbm>>
    %dma_wait3A_141 = arith.constant 0 : i32
    %dma_wait3A_142 = tpu.memref_slice %arg11[%dma_wait3A_131, %dma_wait3A_141] : memref<2x2048xf32, #tpu.memory_space<vmem>> -> memref<1x2048xf32, #tpu.memory_space<vmem>>
    %dma_wait3A_143 = tpu.memref_squeeze %dma_wait3A_142 : memref<1x2048xf32, #tpu.memory_space<vmem>> -> memref<2048xf32, #tpu.memory_space<vmem>>
    tpu.wait_dma2 semaphore(%arg15 : memref<!tpu.dma_semaphore, #tpu.memory_space<semaphore_mem>>) src(%dma_wait3A_143 : memref<2048xf32, #tpu.memory_space<vmem>>) dst(%dma_wait3A_140 : memref<2048xf32, #tpu.memory_space<hbm>>)
    return
  }
}

#map = affine_map<(d0, d1) -> (0)>
module attributes {stable_mosaic.version = 14 : i64} {
  func.func @_idx_weight(%arg0: i32, %arg1: i32, %arg2: memref<262144xi32, #tpu.memory_space<hbm>>, %arg3: memref<262144xi32, #tpu.memory_space<hbm>>, %arg4: memref<16xf32, #tpu.memory_space<hbm>>, %arg5: memref<262144xf32, #tpu.memory_space<hbm>>, %arg6: memref<262144xf32, #tpu.memory_space<hbm>>, %arg7: memref<30720xf32, #tpu.memory_space<hbm>>, %arg8: memref<262144xi32, #tpu.memory_space<hbm>>, %arg9: memref<30720xf32, #tpu.memory_space<vmem>>, %arg10: memref<8192xi32, #tpu.memory_space<vmem>>, %arg11: memref<8192xi32, #tpu.memory_space<vmem>>, %arg12: memref<16xf32, #tpu.memory_space<vmem>>, %arg13: memref<8192xf32, #tpu.memory_space<vmem>>, %arg14: memref<8192xf32, #tpu.memory_space<vmem>>, %arg15: memref<8192xi32, #tpu.memory_space<vmem>>) attributes {dimension_semantics = [#tpu.dimension_semantics<core_parallel>, #tpu.dimension_semantics<subcore_parallel>], iteration_bounds = array<i64: 2, 16>, scalar_prefetch = 0 : i64, scratch_operands = 7 : i64, tpu.core_type = #tpu.core_type<sc_vector_subcore>, window_params = [{transform_indices = #map}, {transform_indices = #map}, {transform_indices = #map}, {transform_indices = #map}, {transform_indices = #map}, {transform_indices = #map}, {transform_indices = #map}]} {
    %mul3A = arith.constant 2 : i32
    %mul3A_0 = arith.muli %arg1, %mul3A : i32
    %add3A = arith.addi %mul3A_0, %arg0 : i32
    %mul3A_1 = arith.constant 8192 : i32
    %mul3A_2 = arith.muli %add3A, %mul3A_1 : i32
    "tpu.region"() ({
      %run_scoped3A = tpu.sem_alloc : memref<!tpu.dma_semaphore, #tpu.memory_space<semaphore_mem>>
      tpu.enqueue_dma source(%arg7 : memref<30720xf32, #tpu.memory_space<hbm>>) target(%arg9 : memref<30720xf32, #tpu.memory_space<vmem>>) target_semaphore(%run_scoped3A : memref<!tpu.dma_semaphore, #tpu.memory_space<semaphore_mem>>)
      tpu.wait_dma2 semaphore(%run_scoped3A : memref<!tpu.dma_semaphore, #tpu.memory_space<semaphore_mem>>) src(%arg7 : memref<30720xf32, #tpu.memory_space<hbm>>) dst(%arg9 : memref<30720xf32, #tpu.memory_space<vmem>>)
      tpu.yield
    }) : () -> ()
    "tpu.region"() ({
      %run_scoped3A = tpu.sem_alloc : memref<!tpu.dma_semaphore, #tpu.memory_space<semaphore_mem>>
      %dma_start3A = tpu.memref_slice %arg2[%mul3A_2] : memref<262144xi32, #tpu.memory_space<hbm>> -> memref<8192xi32, #tpu.memory_space<hbm>>
      %dma_start3A_6 = tpu.memref_slice %arg2[%mul3A_2] : memref<262144xi32, #tpu.memory_space<hbm>> -> memref<8192xi32, #tpu.memory_space<hbm>>
      tpu.enqueue_dma source(%dma_start3A_6 : memref<8192xi32, #tpu.memory_space<hbm>>) target(%arg10 : memref<8192xi32, #tpu.memory_space<vmem>>) target_semaphore(%run_scoped3A : memref<!tpu.dma_semaphore, #tpu.memory_space<semaphore_mem>>)
      %dma_wait3A = tpu.memref_slice %arg2[%mul3A_2] : memref<262144xi32, #tpu.memory_space<hbm>> -> memref<8192xi32, #tpu.memory_space<hbm>>
      %dma_wait3A_7 = tpu.memref_slice %arg2[%mul3A_2] : memref<262144xi32, #tpu.memory_space<hbm>> -> memref<8192xi32, #tpu.memory_space<hbm>>
      tpu.wait_dma2 semaphore(%run_scoped3A : memref<!tpu.dma_semaphore, #tpu.memory_space<semaphore_mem>>) src(%dma_wait3A_7 : memref<8192xi32, #tpu.memory_space<hbm>>) dst(%arg10 : memref<8192xi32, #tpu.memory_space<vmem>>)
      tpu.yield
    }) : () -> ()
    "tpu.region"() ({
      %run_scoped3A = tpu.sem_alloc : memref<!tpu.dma_semaphore, #tpu.memory_space<semaphore_mem>>
      %dma_start3A = tpu.memref_slice %arg3[%mul3A_2] : memref<262144xi32, #tpu.memory_space<hbm>> -> memref<8192xi32, #tpu.memory_space<hbm>>
      %dma_start3A_6 = tpu.memref_slice %arg3[%mul3A_2] : memref<262144xi32, #tpu.memory_space<hbm>> -> memref<8192xi32, #tpu.memory_space<hbm>>
      tpu.enqueue_dma source(%dma_start3A_6 : memref<8192xi32, #tpu.memory_space<hbm>>) target(%arg11 : memref<8192xi32, #tpu.memory_space<vmem>>) target_semaphore(%run_scoped3A : memref<!tpu.dma_semaphore, #tpu.memory_space<semaphore_mem>>)
      %dma_wait3A = tpu.memref_slice %arg3[%mul3A_2] : memref<262144xi32, #tpu.memory_space<hbm>> -> memref<8192xi32, #tpu.memory_space<hbm>>
      %dma_wait3A_7 = tpu.memref_slice %arg3[%mul3A_2] : memref<262144xi32, #tpu.memory_space<hbm>> -> memref<8192xi32, #tpu.memory_space<hbm>>
      tpu.wait_dma2 semaphore(%run_scoped3A : memref<!tpu.dma_semaphore, #tpu.memory_space<semaphore_mem>>) src(%dma_wait3A_7 : memref<8192xi32, #tpu.memory_space<hbm>>) dst(%arg11 : memref<8192xi32, #tpu.memory_space<vmem>>)
      tpu.yield
    }) : () -> ()
    "tpu.region"() ({
      %run_scoped3A = tpu.sem_alloc : memref<!tpu.dma_semaphore, #tpu.memory_space<semaphore_mem>>
      tpu.enqueue_dma source(%arg4 : memref<16xf32, #tpu.memory_space<hbm>>) target(%arg12 : memref<16xf32, #tpu.memory_space<vmem>>) target_semaphore(%run_scoped3A : memref<!tpu.dma_semaphore, #tpu.memory_space<semaphore_mem>>)
      tpu.wait_dma2 semaphore(%run_scoped3A : memref<!tpu.dma_semaphore, #tpu.memory_space<semaphore_mem>>) src(%arg4 : memref<16xf32, #tpu.memory_space<hbm>>) dst(%arg12 : memref<16xf32, #tpu.memory_space<vmem>>)
      tpu.yield
    }) : () -> ()
    "tpu.region"() ({
      %run_scoped3A = tpu.sem_alloc : memref<!tpu.dma_semaphore, #tpu.memory_space<semaphore_mem>>
      %dma_start3A = tpu.memref_slice %arg5[%mul3A_2] : memref<262144xf32, #tpu.memory_space<hbm>> -> memref<8192xf32, #tpu.memory_space<hbm>>
      %dma_start3A_6 = tpu.memref_slice %arg5[%mul3A_2] : memref<262144xf32, #tpu.memory_space<hbm>> -> memref<8192xf32, #tpu.memory_space<hbm>>
      tpu.enqueue_dma source(%dma_start3A_6 : memref<8192xf32, #tpu.memory_space<hbm>>) target(%arg13 : memref<8192xf32, #tpu.memory_space<vmem>>) target_semaphore(%run_scoped3A : memref<!tpu.dma_semaphore, #tpu.memory_space<semaphore_mem>>)
      %dma_wait3A = tpu.memref_slice %arg5[%mul3A_2] : memref<262144xf32, #tpu.memory_space<hbm>> -> memref<8192xf32, #tpu.memory_space<hbm>>
      %dma_wait3A_7 = tpu.memref_slice %arg5[%mul3A_2] : memref<262144xf32, #tpu.memory_space<hbm>> -> memref<8192xf32, #tpu.memory_space<hbm>>
      tpu.wait_dma2 semaphore(%run_scoped3A : memref<!tpu.dma_semaphore, #tpu.memory_space<semaphore_mem>>) src(%dma_wait3A_7 : memref<8192xf32, #tpu.memory_space<hbm>>) dst(%arg13 : memref<8192xf32, #tpu.memory_space<vmem>>)
      tpu.yield
    }) : () -> ()
    "tpu.region"() ({
      %run_scoped3A = tpu.sem_alloc : memref<!tpu.dma_semaphore, #tpu.memory_space<semaphore_mem>>
      %dma_start3A = tpu.memref_slice %arg6[%mul3A_2] : memref<262144xf32, #tpu.memory_space<hbm>> -> memref<8192xf32, #tpu.memory_space<hbm>>
      %dma_start3A_6 = tpu.memref_slice %arg6[%mul3A_2] : memref<262144xf32, #tpu.memory_space<hbm>> -> memref<8192xf32, #tpu.memory_space<hbm>>
      tpu.enqueue_dma source(%dma_start3A_6 : memref<8192xf32, #tpu.memory_space<hbm>>) target(%arg14 : memref<8192xf32, #tpu.memory_space<vmem>>) target_semaphore(%run_scoped3A : memref<!tpu.dma_semaphore, #tpu.memory_space<semaphore_mem>>)
      %dma_wait3A = tpu.memref_slice %arg6[%mul3A_2] : memref<262144xf32, #tpu.memory_space<hbm>> -> memref<8192xf32, #tpu.memory_space<hbm>>
      %dma_wait3A_7 = tpu.memref_slice %arg6[%mul3A_2] : memref<262144xf32, #tpu.memory_space<hbm>> -> memref<8192xf32, #tpu.memory_space<hbm>>
      tpu.wait_dma2 semaphore(%run_scoped3A : memref<!tpu.dma_semaphore, #tpu.memory_space<semaphore_mem>>) src(%dma_wait3A_7 : memref<8192xf32, #tpu.memory_space<hbm>>) dst(%arg14 : memref<8192xf32, #tpu.memory_space<vmem>>)
      tpu.yield
    }) : () -> ()
    %get3A = arith.constant 0 : index
    %get3A_3 = tpu.vector_load %arg12[%get3A] {strides = array<i32>} : memref<16xf32, #tpu.memory_space<vmem>>, vector<16xf32>,
    %iota3A = tpu.iota {dimensions = array<i32: 0>} : vector<16xi32>
    %parallel_loop3A = arith.constant 0 : i32
    %parallel_loop3A_4 = arith.constant 512 : i32
    %parallel_loop3A_5 = arith.constant 1 : i32
    scf.for %parallel_loop3A_6 = %parallel_loop3A to %parallel_loop3A_4 step %parallel_loop3A_5  : i32 {
      %parallel_loop3A_7 = arith.constant 16 : i32
      %parallel_loop3A_8 = arith.muli %parallel_loop3A_6, %parallel_loop3A_7 : i32
      %parallel_loop3A_9 = arith.constant 128 : i32
      %parallel_loop3A_10 = arith.divsi %parallel_loop3A_6, %parallel_loop3A_9 : i32
      %parallel_loop3A_11 = arith.constant 0 : i32
      %parallel_loop3A_12 = arith.cmpi sgt, %parallel_loop3A_6, %parallel_loop3A_11 : i32
      %parallel_loop3A_13 = arith.extui %parallel_loop3A_12 : i1 to i32
      %parallel_loop3A_14 = arith.constant 0 : i32
      %parallel_loop3A_15 = arith.cmpi slt, %parallel_loop3A_6, %parallel_loop3A_14 : i32
      %parallel_loop3A_16 = arith.extui %parallel_loop3A_15 : i1 to i32
      %parallel_loop3A_17 = arith.subi %parallel_loop3A_13, %parallel_loop3A_16 : i32
      %parallel_loop3A_18 = arith.constant 0 : i32
      %parallel_loop3A_19 = arith.cmpi sgt, %parallel_loop3A_9, %parallel_loop3A_18 : i32
      %parallel_loop3A_20 = arith.extui %parallel_loop3A_19 : i1 to i32
      %parallel_loop3A_21 = arith.constant 0 : i32
      %parallel_loop3A_22 = arith.cmpi slt, %parallel_loop3A_9, %parallel_loop3A_21 : i32
      %parallel_loop3A_23 = arith.extui %parallel_loop3A_22 : i1 to i32
      %parallel_loop3A_24 = arith.subi %parallel_loop3A_20, %parallel_loop3A_23 : i32
      %parallel_loop3A_25 = arith.cmpi ne, %parallel_loop3A_17, %parallel_loop3A_24 : i32
      %parallel_loop3A_26 = arith.remsi %parallel_loop3A_6, %parallel_loop3A_9 : i32
      %parallel_loop3A_27 = arith.constant 0 : i32
      %parallel_loop3A_28 = arith.cmpi ne, %parallel_loop3A_26, %parallel_loop3A_27 : i32
      %parallel_loop3A_29 = arith.andi %parallel_loop3A_25, %parallel_loop3A_28 : i1
      %parallel_loop3A_30 = arith.constant 1 : i32
      %parallel_loop3A_31 = arith.subi %parallel_loop3A_10, %parallel_loop3A_30 : i32
      %parallel_loop3A_32 = arith.select %parallel_loop3A_29, %parallel_loop3A_31, %parallel_loop3A_10 : i32
      %parallel_loop3A_33 = arith.constant 2048 : i32
      %parallel_loop3A_34 = arith.muli %parallel_loop3A_32, %parallel_loop3A_33 : i32
      %parallel_loop3A_35 = arith.constant 8 : i32
      %parallel_loop3A_36 = arith.constant 0 : i32
      %parallel_loop3A_37 = arith.cmpi eq, %parallel_loop3A_35, %parallel_loop3A_36 : i32
      %parallel_loop3A_38 = arith.constant 1 : i32
      %parallel_loop3A_39 = arith.select %parallel_loop3A_37, %parallel_loop3A_38, %parallel_loop3A_35 : i32
      %parallel_loop3A_40 = arith.remsi %parallel_loop3A_6, %parallel_loop3A_39 : i32
      %parallel_loop3A_41 = arith.constant 0 : i32
      %parallel_loop3A_42 = arith.cmpi ne, %parallel_loop3A_40, %parallel_loop3A_41 : i32
      %parallel_loop3A_43 = arith.constant 0 : i32
      %parallel_loop3A_44 = arith.cmpi slt, %parallel_loop3A_40, %parallel_loop3A_43 : i32
      %parallel_loop3A_45 = arith.constant 0 : i32
      %parallel_loop3A_46 = arith.cmpi slt, %parallel_loop3A_39, %parallel_loop3A_45 : i32
      %parallel_loop3A_47 = arith.xori %parallel_loop3A_44, %parallel_loop3A_46 : i1
      %parallel_loop3A_48 = arith.andi %parallel_loop3A_47, %parallel_loop3A_42 : i1
      %parallel_loop3A_49 = arith.addi %parallel_loop3A_40, %parallel_loop3A_39 : i32
      %parallel_loop3A_50 = arith.select %parallel_loop3A_48, %parallel_loop3A_49, %parallel_loop3A_40 : i32
      %parallel_loop3A_51 = arith.constant 16 : i32
      %parallel_loop3A_52 = arith.muli %parallel_loop3A_50, %parallel_loop3A_51 : i32
      %parallel_loop3A_53 = vector.broadcast %parallel_loop3A_52 : i32 to vector<16xi32>
      %parallel_loop3A_54 = arith.addi %parallel_loop3A_53, %iota3A : vector<16xi32>
      %parallel_loop3A_55 = arith.constant 16 : i32
      %parallel_loop3A_56 = vector.broadcast %parallel_loop3A_55 : i32 to vector<16xi32>
      %parallel_loop3A_57 = arith.muli %parallel_loop3A_54, %parallel_loop3A_56 : vector<16xi32>
      %parallel_loop3A_58 = vector.broadcast %parallel_loop3A_34 : i32 to vector<16xi32>
      %parallel_loop3A_59 = arith.addi %parallel_loop3A_58, %parallel_loop3A_57 : vector<16xi32>
      %parallel_loop3A_60 = arith.constant 8 : i32
      %parallel_loop3A_61 = arith.divsi %parallel_loop3A_6, %parallel_loop3A_60 : i32
      %parallel_loop3A_62 = arith.constant 0 : i32
      %parallel_loop3A_63 = arith.cmpi sgt, %parallel_loop3A_6, %parallel_loop3A_62 : i32
      %parallel_loop3A_64 = arith.extui %parallel_loop3A_63 : i1 to i32
      %parallel_loop3A_65 = arith.constant 0 : i32
      %parallel_loop3A_66 = arith.cmpi slt, %parallel_loop3A_6, %parallel_loop3A_65 : i32
      %parallel_loop3A_67 = arith.extui %parallel_loop3A_66 : i1 to i32
      %parallel_loop3A_68 = arith.subi %parallel_loop3A_64, %parallel_loop3A_67 : i32
      %parallel_loop3A_69 = arith.constant 0 : i32
      %parallel_loop3A_70 = arith.cmpi sgt, %parallel_loop3A_60, %parallel_loop3A_69 : i32
      %parallel_loop3A_71 = arith.extui %parallel_loop3A_70 : i1 to i32
      %parallel_loop3A_72 = arith.constant 0 : i32
      %parallel_loop3A_73 = arith.cmpi slt, %parallel_loop3A_60, %parallel_loop3A_72 : i32
      %parallel_loop3A_74 = arith.extui %parallel_loop3A_73 : i1 to i32
      %parallel_loop3A_75 = arith.subi %parallel_loop3A_71, %parallel_loop3A_74 : i32
      %parallel_loop3A_76 = arith.cmpi ne, %parallel_loop3A_68, %parallel_loop3A_75 : i32
      %parallel_loop3A_77 = arith.remsi %parallel_loop3A_6, %parallel_loop3A_60 : i32
      %parallel_loop3A_78 = arith.constant 0 : i32
      %parallel_loop3A_79 = arith.cmpi ne, %parallel_loop3A_77, %parallel_loop3A_78 : i32
      %parallel_loop3A_80 = arith.andi %parallel_loop3A_76, %parallel_loop3A_79 : i1
      %parallel_loop3A_81 = arith.constant 1 : i32
      %parallel_loop3A_82 = arith.subi %parallel_loop3A_61, %parallel_loop3A_81 : i32
      %parallel_loop3A_83 = arith.select %parallel_loop3A_80, %parallel_loop3A_82, %parallel_loop3A_61 : i32
      %parallel_loop3A_84 = arith.constant 16 : i32
      %parallel_loop3A_85 = arith.constant 0 : i32
      %parallel_loop3A_86 = arith.cmpi eq, %parallel_loop3A_84, %parallel_loop3A_85 : i32
      %parallel_loop3A_87 = arith.constant 1 : i32
      %parallel_loop3A_88 = arith.select %parallel_loop3A_86, %parallel_loop3A_87, %parallel_loop3A_84 : i32
      %parallel_loop3A_89 = arith.remsi %parallel_loop3A_83, %parallel_loop3A_88 : i32
      %parallel_loop3A_90 = arith.constant 0 : i32
      %parallel_loop3A_91 = arith.cmpi ne, %parallel_loop3A_89, %parallel_loop3A_90 : i32
      %parallel_loop3A_92 = arith.constant 0 : i32
      %parallel_loop3A_93 = arith.cmpi slt, %parallel_loop3A_89, %parallel_loop3A_92 : i32
      %parallel_loop3A_94 = arith.constant 0 : i32
      %parallel_loop3A_95 = arith.cmpi slt, %parallel_loop3A_88, %parallel_loop3A_94 : i32
      %parallel_loop3A_96 = arith.xori %parallel_loop3A_93, %parallel_loop3A_95 : i1
      %parallel_loop3A_97 = arith.andi %parallel_loop3A_96, %parallel_loop3A_91 : i1
      %parallel_loop3A_98 = arith.addi %parallel_loop3A_89, %parallel_loop3A_88 : i32
      %parallel_loop3A_99 = arith.select %parallel_loop3A_97, %parallel_loop3A_98, %parallel_loop3A_89 : i32
      %parallel_loop3A_100 = vector.broadcast %parallel_loop3A_99 : i32 to vector<16xi32>
      %parallel_loop3A_101 = arith.addi %parallel_loop3A_59, %parallel_loop3A_100 : vector<16xi32>
      %parallel_loop3A_102 = tpu.vector_load_idx %arg10[%parallel_loop3A_101] : memref<8192xi32, #tpu.memory_space<vmem>>[vector<16xi32>], vector<16xi32>,
      %parallel_loop3A_103 = tpu.vector_load_idx %arg11[%parallel_loop3A_101] : memref<8192xi32, #tpu.memory_space<vmem>>[vector<16xi32>], vector<16xi32>,
      %parallel_loop3A_104 = arith.constant 320 : i32
      %parallel_loop3A_105 = vector.broadcast %parallel_loop3A_104 : i32 to vector<16xi32>
      %parallel_loop3A_106 = arith.muli %parallel_loop3A_103, %parallel_loop3A_105 : vector<16xi32>
      %parallel_loop3A_107 = arith.addi %parallel_loop3A_106, %parallel_loop3A_102 : vector<16xi32>
      %parallel_loop3A_108 = arith.sitofp %parallel_loop3A_102 : vector<16xi32> to vector<16xf32>
      %parallel_loop3A_109 = arith.constant 5.000000e-01 : f32
      %parallel_loop3A_110 = vector.broadcast %parallel_loop3A_109 : f32 to vector<16xf32>
      %parallel_loop3A_111 = arith.addf %parallel_loop3A_108, %parallel_loop3A_110 : vector<16xf32>
      %parallel_loop3A_112 = arith.mulf %parallel_loop3A_111, %get3A_3 : vector<16xf32>
      %parallel_loop3A_113 = arith.fptosi %parallel_loop3A_112 : vector<16xf32> to vector<16xi32>
      %parallel_loop3A_114 = arith.sitofp %parallel_loop3A_103 : vector<16xi32> to vector<16xf32>
      %parallel_loop3A_115 = arith.constant 5.000000e-01 : f32
      %parallel_loop3A_116 = vector.broadcast %parallel_loop3A_115 : f32 to vector<16xf32>
      %parallel_loop3A_117 = arith.addf %parallel_loop3A_114, %parallel_loop3A_116 : vector<16xf32>
      %parallel_loop3A_118 = arith.mulf %parallel_loop3A_117, %get3A_3 : vector<16xf32>
      %parallel_loop3A_119 = arith.fptosi %parallel_loop3A_118 : vector<16xf32> to vector<16xi32>
      %parallel_loop3A_120 = tpu.vector_load_idx %arg9[%parallel_loop3A_107] : memref<30720xf32, #tpu.memory_space<vmem>>[vector<16xi32>], vector<16xf32>,
      %parallel_loop3A_121 = tpu.vector_load_idx %arg14[%parallel_loop3A_101] : memref<8192xf32, #tpu.memory_space<vmem>>[vector<16xi32>], vector<16xf32>,
      %parallel_loop3A_122 = arith.subf %parallel_loop3A_121, %parallel_loop3A_120 : vector<16xf32>
      %parallel_loop3A_123 = arith.mulf %parallel_loop3A_122, %parallel_loop3A_122 : vector<16xf32>
      %parallel_loop3A_124 = arith.constant -2.000000e+00 : f32
      %parallel_loop3A_125 = vector.broadcast %parallel_loop3A_124 : f32 to vector<16xf32>
      %parallel_loop3A_126 = arith.mulf %parallel_loop3A_123, %parallel_loop3A_125 : vector<16xf32>
      %parallel_loop3A_127 = math.exp %parallel_loop3A_126 : vector<16xf32>
      %parallel_loop3A_128 = arith.constant 0.000000e+00 : f32
      %parallel_loop3A_129 = vector.broadcast %parallel_loop3A_128 : f32 to vector<16xf32>
      %parallel_loop3A_130 = arith.cmpf oeq, %parallel_loop3A_120, %parallel_loop3A_129 : vector<16xf32>
      %parallel_loop3A_131 = arith.constant 1.000000e+00 : f32
      %parallel_loop3A_132 = vector.broadcast %parallel_loop3A_131 : f32 to vector<16xf32>
      %parallel_loop3A_133 = arith.select %parallel_loop3A_130, %parallel_loop3A_132, %parallel_loop3A_127 : vector<16xi1>, vector<16xf32>
      %parallel_loop3A_134 = tpu.vector_load_idx %arg13[%parallel_loop3A_101] : memref<8192xf32, #tpu.memory_space<vmem>>[vector<16xi32>], vector<16xf32>,
      %parallel_loop3A_135 = arith.mulf %parallel_loop3A_133, %parallel_loop3A_134 : vector<16xf32>
      %parallel_loop3A_136 = vector.bitcast %parallel_loop3A_135 : vector<16xf32> to vector<16xi32>
      %parallel_loop3A_137 = arith.constant 32768 : i32
      %parallel_loop3A_138 = vector.broadcast %parallel_loop3A_137 : i32 to vector<16xi32>
      %parallel_loop3A_139 = arith.addi %parallel_loop3A_136, %parallel_loop3A_138 : vector<16xi32>
      %parallel_loop3A_140 = arith.constant -65536 : i32
      %parallel_loop3A_141 = vector.broadcast %parallel_loop3A_140 : i32 to vector<16xi32>
      %parallel_loop3A_142 = arith.andi %parallel_loop3A_139, %parallel_loop3A_141 : vector<16xi32>
      %parallel_loop3A_143 = arith.constant 320 : i32
      %parallel_loop3A_144 = vector.broadcast %parallel_loop3A_143 : i32 to vector<16xi32>
      %parallel_loop3A_145 = arith.muli %parallel_loop3A_119, %parallel_loop3A_144 : vector<16xi32>
      %parallel_loop3A_146 = arith.addi %parallel_loop3A_145, %parallel_loop3A_113 : vector<16xi32>
      %parallel_loop3A_147 = arith.ori %parallel_loop3A_142, %parallel_loop3A_146 : vector<16xi32>
      %parallel_loop3A_148 = arith.index_cast %parallel_loop3A_8 : i32 to index
      %parallel_loop3A_149 = tpu.vector_load %arg15[%parallel_loop3A_148] {strides = array<i32>} : memref<8192xi32, #tpu.memory_space<vmem>>, vector<16xi32>,
      tpu.vector_store %arg15[%parallel_loop3A_148], %parallel_loop3A_147 {strides = array<i32>} : memref<8192xi32, #tpu.memory_space<vmem>>, vector<16xi32>,
    } {sc.loop_unroll_factor = 2 : i64, sc.parallel_access}
    "tpu.region"() ({
      %run_scoped3A = tpu.sem_alloc : memref<!tpu.dma_semaphore, #tpu.memory_space<semaphore_mem>>
      %dma_start3A = tpu.memref_slice %arg8[%mul3A_2] : memref<262144xi32, #tpu.memory_space<hbm>> -> memref<8192xi32, #tpu.memory_space<hbm>>
      %dma_start3A_6 = tpu.memref_slice %arg8[%mul3A_2] : memref<262144xi32, #tpu.memory_space<hbm>> -> memref<8192xi32, #tpu.memory_space<hbm>>
      tpu.enqueue_dma source(%arg15 : memref<8192xi32, #tpu.memory_space<vmem>>) target(%dma_start3A_6 : memref<8192xi32, #tpu.memory_space<hbm>>) target_semaphore(%run_scoped3A : memref<!tpu.dma_semaphore, #tpu.memory_space<semaphore_mem>>)
      %dma_wait3A = tpu.memref_slice %arg8[%mul3A_2] : memref<262144xi32, #tpu.memory_space<hbm>> -> memref<8192xi32, #tpu.memory_space<hbm>>
      %dma_wait3A_7 = tpu.memref_slice %arg8[%mul3A_2] : memref<262144xi32, #tpu.memory_space<hbm>> -> memref<8192xi32, #tpu.memory_space<hbm>>
      tpu.wait_dma2 semaphore(%run_scoped3A : memref<!tpu.dma_semaphore, #tpu.memory_space<semaphore_mem>>) src(%arg15 : memref<8192xi32, #tpu.memory_space<vmem>>) dst(%dma_wait3A_7 : memref<8192xi32, #tpu.memory_space<hbm>>)
      tpu.yield
    }) : () -> ()
    return
  }
}

</mosaic_0001>

<sc_bundles>
// kernel: kernel.4.cloned.1.call-start
scs
__scs_entry_jumppad:
0x0: {  	(pc) =	sbr.rel $0x88, $3  }
0x1: {  	(tag) =	ssettag $0x0;
	lr =	simm.s32 $0x1  }
0x2: {  	[smem:$0x3F9B] =	sst lr;
	_ =	strace $0xD0000000  }
0x3: {  	_ = 	snop  }
0x4: {  	_ = 	snop  }
0x5: {  	_ = 	snop  }
0x6: {  	_ = 	snop  }
0x7: {  	_ = 	snop  }
__scs_overlays_trampoline_lowered:
0x8: {  	[smem:$0x3FAA] =	sst s0  }
0x9: {  	[smem:$0x3FAB] =	sst s1  }
0xa: {  	[smem:$0x3FAC] =	sst s2  }
0xb: {  	[smem:$0x3FAD] =	sst s3  }
0xc: {  	[smem:$0x3FAE] =	sst s4  }
0xd: {  	[smem:$0x3FAF] =	sst s5  }
0xe: {  	[smem:$0x3FB0] =	sst s6  }
0xf: {  	[smem:$0x3FB1] =	sst s7  }
0x10: {  	[smem:$0x3FB2] =	sst s8  }
0x11: {  	[smem:$0x3FB3] =	sst s9;
	s0 =	simm.s32 @!p0 $0x0  }
0x12: {  	s1 =	sld [smem:$0x3F99];
	s0 =	simm.s32 @p0 $0x1  }
0x13: {  	[smem:$0x3FB4] =	sst s0;
	s0 =	simm.s32 @!p1 $0x0  }
0x14: {  	s2 =	sld [smem:$0x3F98];
	s0 =	simm.s32 @p1 $0x1  }
0x15: {  	[smem:$0x3FB5] =	sst s0;
	s0 =	simm.s32 @!p2 $0x0  }
0x16: {  	s3 =	sld [smem:$0x3FDB];
	s0 =	simm.s32 @p2 $0x1  }
0x17: {  	s4 =	simm.s32 $0x1BF5;
	[smem:$0x3FB7] =	sst s0  }
0x18: {  	s0 =	sld [smem:$0x3F9A];
	_ =	swait.ge [sflag:s4], $0x0  }
0x19: {  	s7 =	sld [smem:$0x3F9B]  }
0x1a: {  	s8 =	sadd.s32 $0xFFFFE003, lr  }
0x1b: {  	s9 =	sadd.s32 $0xFFFFFEF7, lr;
	s5 =	simm.s32 $0xFFFFFFFF;
	p2 =	slt.u32 s8, $0xFFFFF086  }
0x1c: {  	p1 =	slt.u32 s9, $0xF7A;
	s5 =	simm.s32 @!p2 $0x0  }
0x1d: {  	s5 =	simm.s32 @p1 $0x1;
	p0 =	seq.s32 s7, s2  }
0x1e: {  	s7 =	smul.u32 @!p0 $0xF7A, s2;
	p2 =	seq.s32 @!p0 s5, $0x0  }
0x1f: {  	s9 =	smul.u32 $0xF7A, s1;
	s8 =	simm.s32 @!p0 $0x1BF5;
	p2 =	por !p2, p0  }
0x20: {  	[sflag:s8] =	ssyncset.s32 @!p0 $0xFFFFF086;
	s6 =	sadd.s32 @!p0 s3, s7;
	s7 =	simm.s32 @!p0 $0x108  }
0x21: {  	s3 =	sadd.s32 s3, s9;
	s6 =	sadd.s32 @!p0 $0x88, s6;
	s7 =	simm.s32 @p2 $0x1082  }
0x22: {  	[simem:s7], [sflag:s8] =	dma.local @!p0 [hbm:s6], $0xF7A  }
0x23: {  	s9 =	sor.u32 $0xD0000000, s2;
	s6 =	simm.s32 $0x108;
	_ =	swait.ge @!p0 [sflag:s8], $0x0  }
0x24: {  	s3 =	sadd.s32 $0x88, s3;
	s6 =	simm.s32 @!p1 $0x1082;
	[sflag:s4] =	ssyncset.s32 $0xFFFFF086  }
0x25: {  	[simem:s6], [sflag:s4] =	dma.local [hbm:s3], $0xF7A  }
0x26: {  	[smem:$0x3F9B] =	sst s1;
	(tag) =	ssettag s2;
	_ =	strace s9  }
0x27: {  	s1 =	sld [smem:$0x3FAB]  }
0x28: {  	s2 =	sld [smem:$0x3FAC]  }
0x29: {  	s4 =	sld [smem:$0x3FAE]  }
0x2a: {  	p0 =	seq.s32 s5, $0x0;
	s5 =	sld [smem:$0x3FAF]  }
0x2b: {  	s6 =	sld [smem:$0x3FB0]  }
0x2c: {  	s7 =	sld [smem:$0x3FB1]  }
0x2d: {  	s3 =	simm.s32 $0x108;
	s8 =	sld [smem:$0x3FB2]  }
0x2e: {  	s3 =	simm.s32 @!p0 $0x1082;
	s9 =	sld [smem:$0x3FB3]  }
0x2f: {  	lr =	sadd.s32 s0, s3;
	s0 =	sld [smem:$0x3FAA]  }
0x30: {  	s3 =	sld [smem:$0x3FAD]  }
0x31: {  	[smem:$0x3FB6] =	sst s10  }
0x32: {  	s10 =	sld [smem:$0x3FB4];
	_ =	sdelay $0x3  }
0x33: {  	p0 =	seq.s32 s10, $0x1;
	s10 =	sld [smem:$0x3FB6];
	_ =	sdelay $0x3  }
0x34: {  	[smem:$0x3FB6] =	sst s10  }
0x35: {  	s10 =	sld [smem:$0x3FB5];
	_ =	sdelay $0x3  }
0x36: {  	p1 =	seq.s32 s10, $0x1;
	s10 =	sld [smem:$0x3FB6];
	_ =	sdelay $0x3  }
0x37: {  	[smem:$0x3FB6] =	sst s10  }
0x38: {  	s10 =	sld [smem:$0x3FB7]  }
0x39: {  	_ = 	snop;
	(pc) =	sbr.ind lr, $3  }
0x3a: {  	_ = 	snop  }
0x3b: {  	_ = 	snop  }
0x3c: {  	p2 =	seq.s32 s10, $0x1;
	s10 =	sld [smem:$0x3FB6]  }
0x3d: {  	_ =	shalt  }
0x3e: {  	_ =	shalt  }
0x3f: {  	_ =	shalt  }
0x40: {  	_ =	shalt  }
0x41: {  	_ =	shalt  }
0x42: {  	_ =	shalt  }
0x43: {  	_ =	shalt  }
0x44: {  	_ =	shalt  }
0x45: {  	_ =	shalt  }
0x46: {  	_ =	shalt  }
0x47: {  	_ =	shalt  }
0x48: {  	_ =	shalt  }
0x49: {  	_ =	shalt  }
0x4a: {  	_ =	shalt  }
0x4b: {  	_ =	shalt  }
0x4c: {  	_ =	shalt  }
0x4d: {  	_ =	shalt  }
0x4e: {  	_ =	shalt  }
0x4f: {  	_ =	shalt  }
0x50: {  	_ =	shalt  }
0x51: {  	_ =	shalt  }
0x52: {  	_ =	shalt  }
0x53: {  	_ =	shalt  }
0x54: {  	_ =	shalt  }
0x55: {  	_ =	shalt  }
0x56: {  	_ =	shalt  }
0x57: {  	_ =	shalt  }
0x58: {  	_ =	shalt  }
0x59: {  	_ =	shalt  }
0x5a: {  	_ =	shalt  }
0x5b: {  	_ =	shalt  }
0x5c: {  	_ =	shalt  }
0x5d: {  	_ =	shalt  }
0x5e: {  	_ =	shalt  }
0x5f: {  	_ =	shalt  }
0x60: {  	_ =	shalt  }
0x61: {  	_ =	shalt  }
0x62: {  	_ =	shalt  }
0x63: {  	_ =	shalt  }
0x64: {  	_ =	shalt  }
0x65: {  	_ =	shalt  }
0x66: {  	_ =	shalt  }
0x67: {  	_ =	shalt  }
0x68: {  	_ =	shalt  }
0x69: {  	_ =	shalt  }
0x6a: {  	_ =	shalt  }
0x6b: {  	_ =	shalt  }
0x6c: {  	_ =	shalt  }
0x6d: {  	_ =	shalt  }
0x6e: {  	_ =	shalt  }
0x6f: {  	_ =	shalt  }
0x70: {  	_ =	shalt  }
0x71: {  	_ =	shalt  }
0x72: {  	_ =	shalt  }
0x73: {  	_ =	shalt  }
0x74: {  	_ =	shalt  }
0x75: {  	_ =	shalt  }
0x76: {  	_ =	shalt  }
0x77: {  	_ =	shalt  }
0x78: {  	_ =	shalt  }
0x79: {  	_ =	shalt  }
0x7a: {  	_ =	shalt  }
0x7b: {  	_ =	shalt  }
0x7c: {  	_ =	shalt  }
0x7d: {  	_ =	shalt  }
0x7e: {  	_ =	shalt  }
0x7f: {  	_ =	shalt  }
0x80: {  	_ =	shalt  }
0x81: {  	_ =	shalt  }
0x82: {  	_ =	shalt  }
0x83: {  	_ =	shalt  }
0x84: {  	_ =	shalt  }
0x85: {  	_ =	shalt  }
0x86: {  	_ =	shalt  }
0x87: {  	_ =	shalt  }
.Lfunc_end0:
.L_simem_size_0:
called_computation_lowered:
.L_overlay_start_0:
0x88: {  	s2 =	sld [smem:$0x3FD9]  }
0x89: {  	s3 =	sld [smem:$0x3FFE];
	_ =	sdelay $0x1  }
0x8a: {  	s1 =	srdreg.scid  }
0x8b: {  	s0 =	sand.u32 $0x1, s1  }
0x8c: {  	s17 =	sshll.u32 s0, $0xA;
	s2 =	sadd.s32 s3, s2  }
0x8d: {  	s2 =	sadd.s32 s2, s17  }
0x8e: {  	[smem:$0x3FC2] =	sst s2  }
0x8f: {  	_ = 	snop  }
0x90: {  	s2 =	sld [smem:$0x3FC5]  }
0x91: {  	s18 =	sld [smem:$0x3FD0];
	(tm) =	ssettm $0x1  }
0x92: {  	s4 =	sld [smem:$0x3FFB];
	_ =	sdelay $0x3  }
0x93: {  	_ =	strace s4  }
0x94: {  	s4 =	sld [smem:$0x3FFC];
	_ =	sdelay $0x3  }
0x95: {  	_ =	strace s4  }
0x96: {  	s4 =	sld [smem:$0x3FFD];
	_ =	sdelay $0x3  }
0x97: {  	_ =	strace s4  }
0x98: {  	_ =	strace $0x8FFFFFFF  }
0x99: {  	s19 =	sld [smem:$0x3FDB];
	_ =	sdelay $0x1  }
0x9a: {  	s5 =	simm.s32 $_scs_section_size  }
0x9b: {  	s6 =	simm.s32 $_size__tile_overlayer_lowered;
	s7 =	simm.s32 $_tile_overlayer_lowered  }
0x9c: {  	s22 =	simm.s32 $0x1BFF;
	s21 =	sshll.u32 s7, $0x1;
	s4 =	sadd.s32 s5, s19  }
0x9d: {  	s8 =	simm.s32 $0x0;
	s20 =	sshll.u32 s6, $0x1;
	s6 =	sadd.s32 s21, s4  }
0x9e: {  	[timem:s8], [sflag:s22] =	dma.local [hbm:s6], s20  }
0x9f: {  	_ =	swait.ge [sflag:s22], s20  }
0xa0: {  	s5 =	ssub.s32 $0x0, s20;
	[sflag:s22] =	ssyncset.done $0x0  }
0xa1: {  	[sflag:s22] =	ssyncadd.s32 s5;
	_ =	sdelay $0x1  }
0xa2: {  	s23 =	simm.s32 $0x1B8B  }
0xa3: {  	_ =	swait.ge [sflag:s23], $0x1  }
0xa4: {  	[sflag:s23] =	ssyncset.done $0x0  }
0xa5: {  	s25 =	simm.s32 $0x1B8E;
	s24 =	sld [smem:$0x3FFE];
	[sflag:s23] =	ssyncadd.s32 $0xFFFFFFFF  }
0xa6: {  	s26 =	simm.s32 $execute0_lowered;
	[smem:$0x3FD2] =	sst s25  }
0xa7: {  	s6 =	sshll.u32 s26, $0x1;
	_ =	strace $0x80000046;
	[dreg:$0x1] =	wrdreg $0xFFFFFFFF  }
0xa8: {  	s28 =	simm.s32 $_size_execute0_lowered;
	s4 =	sadd.s32 s4, s6;
	[dreg:$0x0] =	wrdreg $0x0  }
0xa9: {  	s6 =	sshll.u32 s28, $0x1;
	[dreg:$0x2] =	wrdreg s4  }
0xaa: {  	[dreg:$0x3] =	wrdreg s6  }
0xab: {  	[dreg:$0x4] =	wrdreg $0xC0  }
0xac: {  	_ =	task [dreg:s8], $0x5FFFF  }
0xad: {  	[dreg:$0x1] =	wrdreg $0xFFFFFFFF  }
0xae: {  	[dreg:$0x0] =	wrdreg $0x60  }
0xaf: {  	[dreg:$0x2] =	wrdreg s24  }
0xb0: {  	[dreg:$0x3] =	wrdreg s18  }
0xb1: {  	[dreg:$0x4] =	wrdreg s2  }
0xb2: {  	[dreg:$0x5] =	wrdreg $0x9  }
0xb3: {  	_ =	task.clear_ibuf [dreg:s8], $0x6FFFF;
	_ =	strace $0x90000046  }
0xb4: {  	s29 =	simm.s32 $0x9;
	_ =	strace $0x80000048  }
0xb5: {  	_ =	swait.ge [sflag:s29], $0x1  }
0xb6: {  	[sflag:s29] =	ssyncadd.s32 $0xFFFFFFFF  }
0xb7: {  	_ =	strace $0x90000048  }
0xb8: {  	_ =	sfence  }
0xb9: {  	s30 =	sld [smem:$0x0];
	_ =	sdelay $0x2  }
0xba: {  	s31 =	sshll.u32 s1, $0xD;
	s1 =	sshrl.u32 s1, $0x2  }
0xbb: {  	s3 =	sand.u32 $0x4000, s31;
	s1 =	sadd.s32 s1, s30  }
0xbc: {  	s0 =	sor.u32 s3, s0;
	s1 =	sshll.u32 s1, $0x11  }
0xbd: {  	s0 =	sor.u32 s1, s0  }
0xbe: {  	s0 =	sadd.s32 $0x8F2B, s0  }
0xbf: {  	[sflag:s0] =	ssyncadd.remote.s32 $0x1  }
0xc0: {  	_ =	sfence.sel $0xFFFF  }
0xc1: {  	[dreg:$0x0] =	wrdreg $0xFFFFFFFF;
	(pc) =	sbr.abs _section_cstart, $3  }
0xc2: {  	[dreg:$0x1] =	wrdreg $0xFFFFFFFF  }
0xc3: {  	_ =	task.clear_ibuf [dreg:s8], $0x2FFFF;
	_ =	strace $0x9FFFFFFF  }
0xc4: {  	(tm) =	ssettm $0x7FFFFFFF  }
0xc5: {  	_ =	shalt  }
tec
execute0_lowered:
.L_overlay_start_1:
0x0: {  	(tag) =	ssettag $0x1  }
0x1: {  	s5 =	rddreg [dreg:$0x0]  }
0x2: {  	s6 =	rddreg [dreg:$0x1]  }
0x3: {  	s8 =	rddreg [dreg:$0x2]  }
0x4: {  	s0 =	rddreg [dreg:$0x3];
	s2 =	simm.s32 $0x0;
	s3 =	srdreg.scid  }
0x5: {  	s1 =	stileid.u32;
	s12 =	simm.s32 $0x7800;
	s13 =	simm.s32 $0x9800  }
0x6: {  	s14 =	simm.s32 $0xB800;
	s15 =	simm.s32 $0xB810;
	s16 =	simm.s32 $0xD810  }
0x7: {  	s17 =	simm.s32 $0xF810;
	s18 =	simm.s32 $0x0;
	[smem:$0x7FF] =	sst s2  }
0x8: {  	s4 =	sand.u32 $0x1, s3;
	s7 =	sshll.u32 s1, $0xB;
	s3 =	sadd.s32 $0x11800, s5  }
0x9: {  	_ =	strace $0x80000047;
	s9 =	sshll.u32 s4, $0xA;
	s30 =	ssub.s32 $0x2, s4  }
0xa: {  	s4 =	sadd.s32 $0x800, s5;
	s9 =	sor.u32 s9, s7;
	s31 =	sshrl.u32 s30, $0x1  }
0xb: {  	s10 =	sadd.s32 s9, s5;
	s11 =	ssub.s32 s30, s31;
	s6 =	sadd.s32 s6, s9  }
0xc: {  	v0 =	vlaneseq.u32;
	s8 =	sadd.s32 s8, s9;
	s5 =	sadd.s32 $0x9800, s10;
	s7 =	sadd.s32 $0x1800, s10  }
0xd: {  	v0 =	vmul.u32 $0x10, v0;
	s9 =	sadd.s32 $0x11A00, s10;
	s10 =	smax.u32 s11, $0x1;
	s11 =	simm.s32 $0x1  }
.LBB2_1:
0xe: {  	[tilespmem:s2], [sflag:$0x1] =	stream.linear.gather [hbm4b:s4+s2], $0x7800, $0x38;
	[tilespmem:$0x11810] =	vst v63  }
0xf: {  	_ =	swait.ge [sflag:s11], $0x7800  }
0x10: {  	[sflag:s11] =	ssyncset.done $0x0  }
0x11: {  	[sflag:s11] =	ssyncadd.s32 $0xFFFF8800  }
0x12: {  	[tilespmem:s12], [sflag:$0x1] =	stream.linear.gather [hbm4b:s5+s2], $0x2000, $0x38;
	[tilespmem:$0x11810] =	vst v63  }
0x13: {  	_ =	swait.ge [sflag:s11], $0x2000  }
0x14: {  	[sflag:s11] =	ssyncset.done $0x0  }
0x15: {  	[sflag:s11] =	ssyncadd.s32 $0xFFFFE000  }
0x16: {  	[tilespmem:s13], [sflag:$0x1] =	stream.linear.gather [hbm4b:s6+s2], $0x2000, $0x38;
	[tilespmem:$0x11810] =	vst v63  }
0x17: {  	_ =	swait.ge [sflag:s11], $0x2000  }
0x18: {  	[sflag:s11] =	ssyncset.done $0x0  }
0x19: {  	[sflag:s11] =	ssyncadd.s32 $0xFFFFE000  }
0x1a: {  	[tilespmem:s14], [sflag:$0x1] =	stream.linear.gather [hbm4b:s3+s2], $0x10, $0x38;
	[tilespmem:$0x11810] =	vst v63  }
0x1b: {  	_ =	swait.ge [sflag:s11], $0x10  }
0x1c: {  	s19 =	simm.s32 $0x0;
	[sflag:s11] =	ssyncset.done $0x0  }
0x1d: {  	s21 =	simm.s32 $0x0;
	s20 =	sand.u32 $0x60, s19;
	[sflag:s11] =	ssyncadd.s32 $0xFFFFFFF0  }
0x1e: {  	v1 =	vmov s20;
	[tilespmem:s15], [sflag:$0x1] =	stream.linear.gather [hbm4b:s7+s2], $0x2000, $0x38;
	[tilespmem:$0x11810] =	vst v63  }
0x1f: {  	s19 =	sand.u32 $0x1800, s19;
	s20 =	sand.u32 $0xF, s21;
	v1 =	vshll.u32 v1, $0x4;
	_ =	swait.ge [sflag:s11], $0x2000  }
0x20: {  	s21 =	simm.s32 $0x10;
	s19 =	sor.u32 s19, s20;
	v1 =	vor.u32 v0, v1;
	[sflag:s11] =	ssyncset.done $0x0  }
0x21: {  	s22 =	sand.u32 $0x70, s21;
	v6 =	vor.u32 s19, v1;
	[sflag:s11] =	ssyncadd.s32 $0xFFFFE000  }
0x22: {  	v1 =	vmov s22;
	[tilespmem:s16], [sflag:$0x1] =	stream.linear.gather [hbm4b:s8+s2], $0x2000, $0x38;
	[tilespmem:$0x11810] =	vst v63  }
0x23: {  	v1 =	vshll.u32 v1, $0x4;
	_ =	swait.ge [sflag:s11], $0x2000  }
0x24: {  	v1 =	vor.u32 v0, v1;
	[sflag:s11] =	ssyncset.done $0x0  }
0x25: {  	v8 =	vor.u32 s19, v1;
	[sflag:s11] =	ssyncadd.s32 $0xFFFFE000  }
0x26: {  	v7 =	vld.idx.msk [tilespmem:v6+s13+$0x0], $0xffff;
	_ =	sdelay $0x1  }
0x27: {  	v9 =	vld.idx.msk [tilespmem:v6+s12+$0x0], $0xffff;
	_ =	sdelay $0x1  }
0x28: {  	v3 =	vld.idx.msk [tilespmem:v8+s13+$0x0], $0xffff  }
0x29: {  	v1 =	vmul.u32 $0x140, v7  }
0x2a: {  	v4 =	vld.idx.msk [tilespmem:v8+s12+$0x0], $0xffff  }
0x2b: {  	v1 =	vadd.s32 v9, v1;
	_ =	sdelay $0x1  }
0x2c: {  	s23 =	simm.s32 $0x20;
	v2 =	vmul.u32 $0x140, v3  }
0x2d: {  	s24 =	sand.u32 $0x60, s23  }
0x2e: {  	s26 =	simm.s32 $0x0;
	v10 =	vld.idx.msk [tilespmem:v6+s16+$0x0], $0xffff;
	v5 =	vadd.s32 v4, v2;
	v2 =	vmov s24  }
0x2f: {  	s25 =	simm.s32 $0x30;
	s20 =	sand.u32 $0xF, s26;
	s19 =	sand.u32 $0x1800, s23;
	v2 =	vshll.u32 v2, $0x4;
	v11 =	vld.idx.msk [tilespmem:v1+s2+$0x0], $0xffff  }
0x30: {  	s21 =	sand.u32 $0x70, s25;
	s19 =	sor.u32 s19, s20;
	v2 =	vor.u32 v0, v2  }
0x31: {  	v12 =	vmov s21;
	v2 =	vor.u32 s19, v2  }
0x32: {  	v12 =	vshll.u32 v12, $0x4;
	v13 =	vld.idx.msk [tilespmem:v8+s16+$0x0], $0xffff  }
0x33: {  	v12 =	vor.u32 v0, v12;
	v14 =	vld.idx.msk [tilespmem:v5+s2+$0x0], $0xffff  }
0x34: {  	v12 =	vor.u32 s19, v12;
	v1 =	vld [tilespmem:$0xB800];
	v5 =	vsub.f32 v10, v11  }
0x35: {  	v3 =	vcvt.s32.f32 v3;
	v4 =	vcvt.s32.f32 v4  }
0x36: {  	v10 =	vmul.f32 v5, v5;
	v5 =	vld.idx.msk [tilespmem:v2+s13+$0x0], $0xffff  }
0x37: {  	v3 =	vadd.f32 $5.000000000e-01, v3;
	v9 =	vcvt.s32.f32 v9;
	v15 =	vadd.f32 $5.000000000e-01, v4  }
0x38: {  	v7 =	vcvt.s32.f32 v7;
	v4 =	vld.idx.msk [tilespmem:v2+s12+$0x0], $0xffff;
	v13 =	vsub.f32 v13, v14;
	v10 =	vmul.f32 $-2.000000000e+00, v10  }
0x39: {  	v16 =	vld.idx.msk [tilespmem:v12+s13+$0x0], $0xffff;
	v9 =	vadd.f32 $5.000000000e-01, v9;
	v3 =	vmul.f32 v3, v1;
	v15 =	vmul.f32 v15, v1  }
0x3a: {  	vm0 =	veq.f32 v14, $0.0e+00;
	v13 =	vmul.f32 v13, v13;
	v10 =	vmul.f32 $1.442695020e+00, v10  }
0x3b: {  	v14 =	vld.idx.msk [tilespmem:v12+s12+$0x0], $0xffff;
	v9 =	vmul.f32 v9, v1;
	v15 =	vtrunc.f32 v15;
	v17 =	vmul.u32 $0x140, v5  }
0x3c: {  	v18 =	vadd.f32 $5.000000000e-01, v7;
	v13 =	vmul.f32 $-2.000000000e+00, v13;
	(erf) = vpow2.f32 v10  }
0x3d: {  	v3 =	vtrunc.f32 v3;
	v10 =	vcvt.f32.s32 v15;
	v15 =	vadd.s32 v4, v17  }
0x3e: {  	v3 =	vcvt.f32.s32 v3;
	v13 =	vmul.f32 $1.442695020e+00, v13;
	v17 =	vmul.u32 $0x140, v16  }
0x3f: {  	s29 =	simm.s32 $0x40;
	vm1 =	veq.f32 v11, $0.0e+00;
	vm0 =	vmmov vm0;
	v9 =	vtrunc.f32 v9  }
0x40: {  	s28 =	simm.s32 $0x50;
	s30 =	sand.u32 $0x60, s29;
	v19 =	vld.idx.msk [tilespmem:v2+s16+$0x0], $0xffff;
	v3 =	vmul.u32 $0x140, v3;
	(erf) = vpow2.f32 v13;
	v13 =	vadd.s32 v14, v17  }
0x41: {  	s31 =	simm.s32 $0x0;
	s19 =	sand.u32 $0x70, s28;
	v9 =	vcvt.f32.s32 v9;
	v16 =	vcvt.s32.f32 v16;
	v17 =	vld.idx.msk [tilespmem:v6+s15+$0x0], $0xffff;
	v6 =	vmov s30  }
0x42: {  	s20 =	sand.u32 $0x1800, s29;
	v3 =	vadd.s32 v10, v3;
	v10 =	vmov s19;
	s19 =	sand.u32 $0xF, s31;
	v6 =	vshll.u32 v6, $0x4;
	v7 =	vld.idx.msk [tilespmem:v15+s2+$0x0], $0xffff  }
0x43: {  	v16 =	vadd.f32 $5.000000000e-01, v16;
	s19 =	sor.u32 s20, s19;
	v6 =	vor.u32 v0, v6;
	v15 =	vmul.f32 v18, v1  }
0x44: {  	v10 =	vshll.u32 v10, $0x4;
	v14 =	vcvt.s32.f32 v14;
	v6 =	vor.u32 s19, v6;
	v18 =	vld.idx.msk [tilespmem:v12+s16+$0x0], $0xffff  }
0x45: {  	v10 =	vor.u32 v0, v10;
	v16 =	vmul.f32 v16, v1;
	v15 =	vtrunc.f32 v15;
	v13 =	vld.idx.msk [tilespmem:v13+s2+$0x0], $0xffff;
	v11 =	vpop (erf)  }
0x46: {  	v14 =	vadd.f32 $5.000000000e-01, v14;
	v15 =	vcvt.f32.s32 v15;
	v11 =	vsel vm1, $0x3F800000, v11  }
0x47: {  	v11 =	vmul.f32 v11, v17;
	v17 =	vor.u32 s19, v10;
	v10 =	vsub.f32 v19, v7  }
0x48: {  	v8 =	vld.idx.msk [tilespmem:v8+s15+$0x0], $0xffff;
	v14 =	vmul.f32 v14, v1;
	v16 =	vtrunc.f32 v16;
	v15 =	vmul.u32 $0x140, v15  }
0x49: {  	v16 =	vcvt.f32.s32 v16;
	v19 =	vadd.s32 $0x8000, v11;
	v11 =	vld.idx.msk [tilespmem:v6+s13+$0x0], $0xffff;
	v20 =	vmul.f32 v10, v10  }
0x4a: {  	v14 =	vtrunc.f32 v14;
	v9 =	vadd.s32 v9, v15;
	v15 =	vsub.f32 v18, v13  }
0x4b: {  	v63 =	vmul.u32 $0x140, v16;
	vm1 =	veq.f32 v13, $0.0e+00;
	v10 =	vld.idx.msk [tilespmem:v6+s12+$0x0], $0xffff;
	v13 =	vmul.f32 $-2.000000000e+00, v20  }
0x4c: {  	v21 =	vpop (erf);
	v14 =	vcvt.f32.s32 v14;
	v19 =	vand.u32 $0xFFFF0000, v19;
	v15 =	vmul.f32 v15, v15;
	v20 =	vld.idx.msk [tilespmem:v17+s13+$0x0], $0xffff  }
0x4d: {  	v18 =	vsel vm0, $0x3F800000, v21;
	v9 =	vor.u32 v9, v19;
	v19 =	vmul.f32 $1.442695020e+00, v13  }
0x4e: {  	v18 =	vmul.f32 v18, v8;
	v15 =	vmul.f32 $-2.000000000e+00, v15;
	v13 =	vld.idx.msk [tilespmem:v17+s12+$0x0], $0xffff;
	v16 =	vmul.u32 $0x140, v11  }
0x4f: {  	v14 =	vadd.s32 v14, v63;
	vm0 =	vmmov vm1;
	v8 =	vld.idx.msk [tilespmem:v12+s15+$0x0], $0xffff;
	(erf) = vpow2.f32 v19  }
0x50: {  	s19 =	simm.s32 $0xF820;
	v12 =	vld.idx.msk [tilespmem:v17+s16+$0x0], $0xffff;
	v19 =	vadd.s32 $0x8000, v18;
	v18 =	vmul.f32 $1.442695020e+00, v15;
	v16 =	vadd.s32 v10, v16  }
0x51: {  	s21 =	simm.s32 $0x70;
	s20 =	simm.s32 $0x4;
	[tilespmem:s19+$0xFFFFFFF0] =	vst v9;
	v9 =	vld.idx.msk [tilespmem:v17+s15+$0x0], $0xffff;
	v15 =	vand.u32 $0xFFFF0000, v19;
	v19 =	vmul.u32 $0x140, v20;
	v17 =	vcvt.s32.f32 v20  }
.LBB2_2:
0x52: {  	s22 =	sadd.s32 $0xFFFFFFF0, s21;
	s23 =	sand.u32 $0x70, s21;
	v20 =	vcvt.s32.f32 v5;
	(erf) = vpow2.f32 v18;
	v15 =	vor.u32 v3, v15;
	v5 =	vmovc v11;
	v3 =	vmovc v14  }
0x53: {  	s20 =	sadd.s32 $0x2, s20;
	s24 =	sand.u32 $0x60, s22;
	v11 =	vmov s23;
	v14 =	vadd.s32 v13, v19;
	v17 =	vadd.f32 $5.000000000e-01, v17;
	v18 =	vld.idx.msk [tilespmem:v2+s15+$0x0], $0xffff;
	[tilespmem:s19+$0x0] =	vst v15;
	v2 =	vmovc v6  }
0x54: {  	s23 =	sshrl.u32 s20, $0x3;
	p0 =	slt.u32 s20, $0x1FE;
	v15 =	vmov s24;
	v19 =	vld.idx.msk [tilespmem:v6+s16+$0x0], $0xffff;
	v6 =	vcvt.s32.f32 v4;
	v20 =	vadd.f32 $5.000000000e-01, v20;
	v4 =	vmovc v10  }
0x55: {  	s22 =	sand.u32 $0x1800, s22;
	v13 =	vcvt.s32.f32 v13;
	s23 =	sand.u32 $0xF, s23;
	v11 =	vshll.u32 v11, $0x4;
	v10 =	vshll.u32 v15, $0x4;
	v15 =	vld.idx.msk [tilespmem:v16+s2+$0x0], $0xffff  }
0x56: {  	s22 =	sor.u32 s22, s23;
	v10 =	vor.u32 v0, v10;
	v16 =	vadd.f32 $5.000000000e-01, v6;
	v20 =	vmul.f32 v20, v1  }
0x57: {  	v17 =	vmul.f32 v17, v1;
	v6 =	vor.u32 s22, v10;
	v10 =	vor.u32 v0, v11  }
0x58: {  	vm1 =	veq.f32 v7, $0.0e+00;
	v14 =	vld.idx.msk [tilespmem:v14+s2+$0x0], $0xffff;
	v11 =	vmul.f32 v16, v1;
	v16 =	vtrunc.f32 v20;
	v7 =	vpop (erf)  }
0x59: {  	v20 =	vor.u32 s22, v10;
	v10 =	vcvt.f32.s32 v16;
	v7 =	vsel vm1, $0x3F800000, v7  }
0x5a: {  	v13 =	vadd.f32 $5.000000000e-01, v13;
	v11 =	vtrunc.f32 v11;
	v22 =	vmul.f32 v7, v18  }
0x5b: {  	v16 =	vsub.f32 v19, v15;
	v18 =	vcvt.f32.s32 v11;
	v10 =	vmul.u32 $0x140, v10;
	v19 =	vpop (erf)  }
0x5c: {  	v21 =	vmul.f32 v13, v1;
	v13 =	vtrunc.f32 v17;
	v11 =	vld.idx.msk [tilespmem:v6+s13+$0x0], $0xffff;
	v17 =	vadd.s32 $0x8000, v22;
	v7 =	vmovc v15  }
0x5d: {  	v15 =	vmul.f32 v16, v16;
	v16 =	vand.u32 $0xFFFF0000, v17;
	v17 =	vadd.s32 v18, v10  }
0x5e: {  	s19 =	sadd.s32 $0x20, s19;
	v12 =	vsub.f32 v12, v14;
	vm1 =	veq.f32 v14, $0.0e+00;
	v10 =	vld.idx.msk [tilespmem:v6+s12+$0x0], $0xffff;
	v14 =	vor.u32 v17, v16  }
0x5f: {  	v15 =	vmul.f32 $-2.000000000e+00, v15;
	v16 =	vcvt.f32.s32 v13;
	v17 =	vld.idx.msk [tilespmem:v20+s13+$0x0], $0xffff;
	[tilespmem:s19+$0xFFFFFFF0] =	vst v14;
	v14 =	vsel vm0, $0x3F800000, v19  }
0x60: {  	v18 =	vmul.f32 v12, v12;
	vm0 =	vmmov vm1;
	v13 =	vld.idx.msk [tilespmem:v20+s12+$0x0], $0xffff;
	v14 =	vmul.f32 v14, v8;
	v8 =	vmovc v9  }
.Ltmp0:
0x61: {  	v19 =	vtrunc.f32 v21;
	v15 =	vmul.f32 $1.442695020e+00, v15;
	v21 =	vmul.u32 $0x140, v16;
	v12 =	vld.idx.msk [tilespmem:v20+s16+$0x0], $0xffff;
	(pc) =	sbr.rel @p0 .LBB2_2-.Ltmp0, $4  }
0x62: {  	v16 =	vmul.u32 $0x140, v11;
	v18 =	vmul.f32 $-2.000000000e+00, v18;
	v9 =	vld.idx.msk [tilespmem:v20+s15+$0x0], $0xffff;
	v20 =	vcvt.f32.s32 v19  }
0x63: {  	v14 =	vadd.s32 $0x8000, v14;
	(erf) = vpow2.f32 v15  }
0x64: {  	v16 =	vadd.s32 v10, v16;
	v18 =	vmul.f32 $1.442695020e+00, v18;
	v15 =	vand.u32 $0xFFFF0000, v14  }
0x65: {  	s21 =	sadd.s32 $0x20, s21;
	v19 =	vmul.u32 $0x140, v17;
	v17 =	vcvt.s32.f32 v17;
	v14 =	vadd.s32 v20, v21  }
0x66: {  	_ = 	snop  }
0x67: {  	v19 =	vadd.s32 v13, v19;
	_ =	sdelay $0x2  }
0x68: {  	v20 =	vld.idx.msk [tilespmem:v6+s16+$0x0], $0xffff  }
0x69: {  	v16 =	vld.idx.msk [tilespmem:v16+s2+$0x0], $0xffff  }
0x6a: {  	v19 =	vld.idx.msk [tilespmem:v19+s2+$0x0], $0xffff;
	_ =	sdelay $0x3  }
0x6b: {  	v5 =	vcvt.s32.f32 v5;
	(erf) = vpow2.f32 v18;
	v48 =	vsub.f32 v20, v16  }
0x6c: {  	v4 =	vcvt.s32.f32 v4;
	v49 =	vcvt.s32.f32 v13;
	v12 =	vsub.f32 v12, v19  }
0x6d: {  	v11 =	vcvt.s32.f32 v11;
	v17 =	vadd.f32 $5.000000000e-01, v17;
	v18 =	vmul.f32 v48, v48  }
0x6e: {  	v10 =	vcvt.s32.f32 v10;
	v5 =	vadd.f32 $5.000000000e-01, v5;
	v12 =	vmul.f32 v12, v12  }
0x6f: {  	v4 =	vadd.f32 $5.000000000e-01, v4;
	v17 =	vmul.f32 v17, v1;
	v18 =	vmul.f32 $-2.000000000e+00, v18  }
0x70: {  	v13 =	vadd.f32 $5.000000000e-01, v49;
	v5 =	vmul.f32 v5, v1;
	v12 =	vmul.f32 $-2.000000000e+00, v12  }
0x71: {  	v11 =	vadd.f32 $5.000000000e-01, v11;
	v4 =	vmul.f32 v4, v1;
	v18 =	vmul.f32 $1.442695020e+00, v18  }
0x72: {  	v57 =	vadd.f32 $5.000000000e-01, v10;
	v51 =	vmul.f32 v13, v1;
	v12 =	vmul.f32 $1.442695020e+00, v12  }
0x73: {  	v2 =	vld.idx.msk [tilespmem:v2+s15+$0x0], $0xffff;
	v58 =	vmul.f32 v11, v1;
	v50 =	vpop (erf);
	(erf) = vpow2.f32 v18  }
0x74: {  	v1 =	vmul.f32 v57, v1;
	(erf) = vpow2.f32 v12  }
0x75: {  	vm1 =	veq.f32 v7, $0.0e+00;
	v52 =	vtrunc.f32 v17;
	v5 =	vtrunc.f32 v5  }
0x76: {  	v3 =	vor.u32 v3, v15;
	v4 =	vtrunc.f32 v4;
	v55 =	vcvt.f32.s32 v52  }
0x77: {  	v59 =	vtrunc.f32 v58;
	v7 =	vsel vm1, $0x3F800000, v50;
	v5 =	vcvt.f32.s32 v5  }
0x78: {  	vm15 =	veq.f32 v16, $0.0e+00;
	v1 =	vtrunc.f32 v1;
	v2 =	vmul.f32 v7, v2  }
0x79: {  	v56 =	vld.idx.msk [tilespmem:v6+s15+$0x0], $0xffff;
	v4 =	vcvt.f32.s32 v4;
	v7 =	vtrunc.f32 v51;
	v5 =	vmul.u32 $0x140, v5  }
0x7a: {  	[tilespmem:s19+$0x0] =	vst v3;
	v1 =	vcvt.f32.s32 v1;
	v53 =	vpop (erf);
	v3 =	vcvt.f32.s32 v7;
	v2 =	vadd.s32 $0x8000, v2  }
0x7b: {  	v54 =	vsel vm0, $0x3F800000, v53;
	v2 =	vand.u32 $0xFFFF0000, v2;
	v4 =	vadd.s32 v4, v5  }
0x7c: {  	vm13 =	veq.f32 v19, $0.0e+00;
	v5 =	vmul.f32 v54, v8;
	v8 =	vcvt.f32.s32 v59;
	v60 =	vpop (erf)  }
0x7d: {  	v2 =	vor.u32 v4, v2;
	vm14 =	vmmov vm13;
	v10 =	vsel vm15, $0x3F800000, v60;
	v61 =	vpop (erf)  }
0x7e: {  	v5 =	vadd.s32 $0x8000, v5;
	v6 =	vmul.f32 v10, v56;
	v62 =	vsel vm14, $0x3F800000, v61  }
0x7f: {  	v8 =	vmul.u32 $0x140, v8;
	v5 =	vand.u32 $0xFFFF0000, v5;
	v9 =	vmul.f32 v62, v9  }
0x80: {  	s31 =	sadd.s32 $0x20, s19;
	v4 =	vmul.u32 $0x140, v55;
	v5 =	vor.u32 v14, v5;
	v6 =	vadd.s32 $0x8000, v6  }
0x81: {  	[tilespmem:s31+$0xFFFFFFF0] =	vst v2;
	v1 =	vadd.s32 v1, v8;
	v2 =	vand.u32 $0xFFFF0000, v6;
	v63 =	vadd.s32 $0x8000, v9  }
0x82: {  	s18 =	sadd.s32 $0x1, s18;
	s19 =	sadd.s32 $0x20, s31;
	v3 =	vadd.s32 v3, v4;
	[tilespmem:s31+$0x0] =	vst v5;
	v1 =	vor.u32 v1, v2;
	v2 =	vand.u32 $0xFFFF0000, v63  }
0x83: {  	p0 =	sne.s32 s18, s10;
	[tilespmem:s19+$0xFFFFFFF0] =	vst v1;
	v1 =	vor.u32 v3, v2  }
.Ltmp1:
0x84: {  	[tilespmem:s19+$0x0] =	vst v1;
	(pc) =	sbr.rel @p0 .LBB2_1-.Ltmp1, $4  }
0x85: {  	[hbm4b:s9+s2] =	stream.linear.scatter [tilespmem:s17], [sflag:$0x1], $0x2000, $0x38;
	[tilespmem:$0x11810] =	vst v63  }
0x86: {  	_ =	swait.ge [sflag:s11], $0x2000  }
0x87: {  	[sflag:s11] =	ssyncset.done $0x0  }
0x88: {  	[sflag:s11] =	ssyncadd.s32 $0xFFFFE000  }
0x89: {  	_ =	sfence.sel $0x180000  }
0x8a: {  	[bflag:$0x0] =	sbarrier.arrive $0xFFFF  }
0x8b: {  	p0 =	sne.s32 s1, $0x0;
	_ =	strace $0x90000047  }
0x8c: {  	s0 =	sadd.s32 @!p0 $0x100000, s0;
	[bflag:$0x2] =	sbarrier.arrive $0xFFFF  }
0x8d: {  	[sflag:s0] =	ssyncadd.tile.s32 @!p0 $0x1;
	_ =	shalt  }
.Lfunc_end2:
_tile_overlayer_lowered:
.L_overlay_start_2:
0x8e: {  	(tag) =	ssettag $0x2  }
0x8f: {  	s0 =	rddreg [dreg:$0x0];
	s2 =	stileid.u32  }
0x90: {  	s1 =	rddreg [dreg:$0x1];
	p0 =	sne.s32 s2, $0x0  }
0x91: {  	s3 =	rddreg [dreg:$0x2];
	[bflag:$0x3] =	sbarrier.arrive $0xFFFF;
	s2 =	simm.s32 @!p0 $0x1C01  }
0x92: {  	[timem:s3], [sflag:s2] =	dma.local @!p0 [hbm:s0], s1  }
0x93: {  	s0 =	simm.s32 @!p0 $0x1  }
0x94: {  	_ =	swait.ge @!p0 [sflag:s0], s1  }
0x95: {  	s1 =	ssub.s32 @!p0 $0x0, s1;
	[sflag:s0] =	ssyncset.done @!p0 $0x0  }
0x96: {  	[sflag:s0] =	ssyncadd.s32 @!p0 s1  }
0x97: {  	[bflag:$0x3] =	sbarrier.arrive $0xFFFF  }
0x98: {  	_ =	shalt  }

// kernel: kernel.7.cloned.1.call-start
scs
__scs_entry_jumppad:
0x0: {  	(pc) =	sbr.rel $0x88, $3  }
0x1: {  	(tag) =	ssettag $0x0;
	lr =	simm.s32 $0x1  }
0x2: {  	[smem:$0x3F9B] =	sst lr;
	_ =	strace $0xD0000000  }
0x3: {  	_ = 	snop  }
0x4: {  	_ = 	snop  }
0x5: {  	_ = 	snop  }
0x6: {  	_ = 	snop  }
0x7: {  	_ = 	snop  }
__scs_overlays_trampoline_lowered:
0x8: {  	[smem:$0x3FAA] =	sst s0  }
0x9: {  	[smem:$0x3FAB] =	sst s1  }
0xa: {  	[smem:$0x3FAC] =	sst s2  }
0xb: {  	[smem:$0x3FAD] =	sst s3  }
0xc: {  	[smem:$0x3FAE] =	sst s4  }
0xd: {  	[smem:$0x3FAF] =	sst s5  }
0xe: {  	[smem:$0x3FB0] =	sst s6  }
0xf: {  	[smem:$0x3FB1] =	sst s7  }
0x10: {  	[smem:$0x3FB2] =	sst s8  }
0x11: {  	[smem:$0x3FB3] =	sst s9;
	s0 =	simm.s32 @!p0 $0x0  }
0x12: {  	s1 =	sld [smem:$0x3F99];
	s0 =	simm.s32 @p0 $0x1  }
0x13: {  	[smem:$0x3FB4] =	sst s0;
	s0 =	simm.s32 @!p1 $0x0  }
0x14: {  	s2 =	sld [smem:$0x3F98];
	s0 =	simm.s32 @p1 $0x1  }
0x15: {  	[smem:$0x3FB5] =	sst s0;
	s0 =	simm.s32 @!p2 $0x0  }
0x16: {  	s3 =	sld [smem:$0x3FDB];
	s0 =	simm.s32 @p2 $0x1  }
0x17: {  	s4 =	simm.s32 $0x1BF5;
	[smem:$0x3FB7] =	sst s0  }
0x18: {  	s0 =	sld [smem:$0x3F9A];
	_ =	swait.ge [sflag:s4], $0x0  }
0x19: {  	s7 =	sld [smem:$0x3F9B]  }
0x1a: {  	s8 =	sadd.s32 $0xFFFFE003, lr  }
0x1b: {  	s9 =	sadd.s32 $0xFFFFFEF7, lr;
	s5 =	simm.s32 $0xFFFFFFFF;
	p2 =	slt.u32 s8, $0xFFFFF086  }
0x1c: {  	p1 =	slt.u32 s9, $0xF7A;
	s5 =	simm.s32 @!p2 $0x0  }
0x1d: {  	s5 =	simm.s32 @p1 $0x1;
	p0 =	seq.s32 s7, s2  }
0x1e: {  	s7 =	smul.u32 @!p0 $0xF7A, s2;
	p2 =	seq.s32 @!p0 s5, $0x0  }
0x1f: {  	s9 =	smul.u32 $0xF7A, s1;
	s8 =	simm.s32 @!p0 $0x1BF5;
	p2 =	por !p2, p0  }
0x20: {  	[sflag:s8] =	ssyncset.s32 @!p0 $0xFFFFF086;
	s6 =	sadd.s32 @!p0 s3, s7;
	s7 =	simm.s32 @!p0 $0x108  }
0x21: {  	s3 =	sadd.s32 s3, s9;
	s6 =	sadd.s32 @!p0 $0x88, s6;
	s7 =	simm.s32 @p2 $0x1082  }
0x22: {  	[simem:s7], [sflag:s8] =	dma.local @!p0 [hbm:s6], $0xF7A  }
0x23: {  	s9 =	sor.u32 $0xD0000000, s2;
	s6 =	simm.s32 $0x108;
	_ =	swait.ge @!p0 [sflag:s8], $0x0  }
0x24: {  	s3 =	sadd.s32 $0x88, s3;
	s6 =	simm.s32 @!p1 $0x1082;
	[sflag:s4] =	ssyncset.s32 $0xFFFFF086  }
0x25: {  	[simem:s6], [sflag:s4] =	dma.local [hbm:s3], $0xF7A  }
0x26: {  	[smem:$0x3F9B] =	sst s1;
	(tag) =	ssettag s2;
	_ =	strace s9  }
0x27: {  	s1 =	sld [smem:$0x3FAB]  }
0x28: {  	s2 =	sld [smem:$0x3FAC]  }
0x29: {  	s4 =	sld [smem:$0x3FAE]  }
0x2a: {  	p0 =	seq.s32 s5, $0x0;
	s5 =	sld [smem:$0x3FAF]  }
0x2b: {  	s6 =	sld [smem:$0x3FB0]  }
0x2c: {  	s7 =	sld [smem:$0x3FB1]  }
0x2d: {  	s3 =	simm.s32 $0x108;
	s8 =	sld [smem:$0x3FB2]  }
0x2e: {  	s3 =	simm.s32 @!p0 $0x1082;
	s9 =	sld [smem:$0x3FB3]  }
0x2f: {  	lr =	sadd.s32 s0, s3;
	s0 =	sld [smem:$0x3FAA]  }
0x30: {  	s3 =	sld [smem:$0x3FAD]  }
0x31: {  	[smem:$0x3FB6] =	sst s10  }
0x32: {  	s10 =	sld [smem:$0x3FB4];
	_ =	sdelay $0x3  }
0x33: {  	p0 =	seq.s32 s10, $0x1;
	s10 =	sld [smem:$0x3FB6];
	_ =	sdelay $0x3  }
0x34: {  	[smem:$0x3FB6] =	sst s10  }
0x35: {  	s10 =	sld [smem:$0x3FB5];
	_ =	sdelay $0x3  }
0x36: {  	p1 =	seq.s32 s10, $0x1;
	s10 =	sld [smem:$0x3FB6];
	_ =	sdelay $0x3  }
0x37: {  	[smem:$0x3FB6] =	sst s10  }
0x38: {  	s10 =	sld [smem:$0x3FB7]  }
0x39: {  	_ = 	snop;
	(pc) =	sbr.ind lr, $3  }
0x3a: {  	_ = 	snop  }
0x3b: {  	_ = 	snop  }
0x3c: {  	p2 =	seq.s32 s10, $0x1;
	s10 =	sld [smem:$0x3FB6]  }
0x3d: {  	_ =	shalt  }
0x3e: {  	_ =	shalt  }
0x3f: {  	_ =	shalt  }
0x40: {  	_ =	shalt  }
0x41: {  	_ =	shalt  }
0x42: {  	_ =	shalt  }
0x43: {  	_ =	shalt  }
0x44: {  	_ =	shalt  }
0x45: {  	_ =	shalt  }
0x46: {  	_ =	shalt  }
0x47: {  	_ =	shalt  }
0x48: {  	_ =	shalt  }
0x49: {  	_ =	shalt  }
0x4a: {  	_ =	shalt  }
0x4b: {  	_ =	shalt  }
0x4c: {  	_ =	shalt  }
0x4d: {  	_ =	shalt  }
0x4e: {  	_ =	shalt  }
0x4f: {  	_ =	shalt  }
0x50: {  	_ =	shalt  }
0x51: {  	_ =	shalt  }
0x52: {  	_ =	shalt  }
0x53: {  	_ =	shalt  }
0x54: {  	_ =	shalt  }
0x55: {  	_ =	shalt  }
0x56: {  	_ =	shalt  }
0x57: {  	_ =	shalt  }
0x58: {  	_ =	shalt  }
0x59: {  	_ =	shalt  }
0x5a: {  	_ =	shalt  }
0x5b: {  	_ =	shalt  }
0x5c: {  	_ =	shalt  }
0x5d: {  	_ =	shalt  }
0x5e: {  	_ =	shalt  }
0x5f: {  	_ =	shalt  }
0x60: {  	_ =	shalt  }
0x61: {  	_ =	shalt  }
0x62: {  	_ =	shalt  }
0x63: {  	_ =	shalt  }
0x64: {  	_ =	shalt  }
0x65: {  	_ =	shalt  }
0x66: {  	_ =	shalt  }
0x67: {  	_ =	shalt  }
0x68: {  	_ =	shalt  }
0x69: {  	_ =	shalt  }
0x6a: {  	_ =	shalt  }
0x6b: {  	_ =	shalt  }
0x6c: {  	_ =	shalt  }
0x6d: {  	_ =	shalt  }
0x6e: {  	_ =	shalt  }
0x6f: {  	_ =	shalt  }
0x70: {  	_ =	shalt  }
0x71: {  	_ =	shalt  }
0x72: {  	_ =	shalt  }
0x73: {  	_ =	shalt  }
0x74: {  	_ =	shalt  }
0x75: {  	_ =	shalt  }
0x76: {  	_ =	shalt  }
0x77: {  	_ =	shalt  }
0x78: {  	_ =	shalt  }
0x79: {  	_ =	shalt  }
0x7a: {  	_ =	shalt  }
0x7b: {  	_ =	shalt  }
0x7c: {  	_ =	shalt  }
0x7d: {  	_ =	shalt  }
0x7e: {  	_ =	shalt  }
0x7f: {  	_ =	shalt  }
0x80: {  	_ =	shalt  }
0x81: {  	_ =	shalt  }
0x82: {  	_ =	shalt  }
0x83: {  	_ =	shalt  }
0x84: {  	_ =	shalt  }
0x85: {  	_ =	shalt  }
0x86: {  	_ =	shalt  }
0x87: {  	_ =	shalt  }
.Lfunc_end0:
.L_simem_size_0:
called_computation.1_lowered:
.L_overlay_start_0:
0x88: {  	s2 =	sld [smem:$0x3FD9]  }
0x89: {  	s3 =	sld [smem:$0x3FFE];
	_ =	sdelay $0x1  }
0x8a: {  	s1 =	srdreg.scid  }
0x8b: {  	s0 =	sand.u32 $0x1, s1  }
0x8c: {  	s17 =	sshll.u32 s0, $0xA;
	s2 =	sadd.s32 s3, s2  }
0x8d: {  	s2 =	sadd.s32 s2, s17  }
0x8e: {  	[smem:$0x3FC2] =	sst s2  }
0x8f: {  	_ = 	snop  }
0x90: {  	s2 =	sld [smem:$0x3FD0];
	(tm) =	ssettm $0x1  }
0x91: {  	s18 =	sld [smem:$0x3FFB];
	_ =	sdelay $0x3  }
0x92: {  	_ =	strace s18  }
0x93: {  	s3 =	sld [smem:$0x3FFC];
	_ =	sdelay $0x3  }
0x94: {  	_ =	strace s3  }
0x95: {  	s3 =	sld [smem:$0x3FFD];
	_ =	sdelay $0x3  }
0x96: {  	_ =	strace s3  }
0x97: {  	_ =	strace $0x8FFFFFFF  }
0x98: {  	s19 =	sld [smem:$0x3FDB];
	_ =	sdelay $0x1  }
0x99: {  	s4 =	simm.s32 $_scs_section_size  }
0x9a: {  	s5 =	simm.s32 $_size__tile_overlayer_lowered;
	s6 =	simm.s32 $_tile_overlayer_lowered  }
0x9b: {  	s22 =	simm.s32 $0x1BFF;
	s21 =	sshll.u32 s6, $0x1;
	s3 =	sadd.s32 s4, s19  }
0x9c: {  	s7 =	simm.s32 $0x0;
	s20 =	sshll.u32 s5, $0x1;
	s5 =	sadd.s32 s21, s3  }
0x9d: {  	[timem:s7], [sflag:s22] =	dma.local [hbm:s5], s20  }
0x9e: {  	_ =	swait.ge [sflag:s22], s20  }
0x9f: {  	s4 =	ssub.s32 $0x0, s20;
	[sflag:s22] =	ssyncset.done $0x0  }
0xa0: {  	[sflag:s22] =	ssyncadd.s32 s4;
	_ =	sdelay $0x1  }
0xa1: {  	s23 =	simm.s32 $0x1B8B  }
0xa2: {  	_ =	swait.ge [sflag:s23], $0x1  }
0xa3: {  	[sflag:s23] =	ssyncset.done $0x0  }
0xa4: {  	s25 =	simm.s32 $0x1B8E;
	s24 =	sld [smem:$0x3FFE];
	[sflag:s23] =	ssyncadd.s32 $0xFFFFFFFF  }
0xa5: {  	s26 =	simm.s32 $execute0_lowered;
	[smem:$0x3FD2] =	sst s25  }
0xa6: {  	s5 =	sshll.u32 s26, $0x1;
	_ =	strace $0x80000049;
	[dreg:$0x1] =	wrdreg $0xFFFFFFFF  }
0xa7: {  	s28 =	simm.s32 $_size_execute0_lowered;
	s3 =	sadd.s32 s3, s5;
	[dreg:$0x0] =	wrdreg $0x0  }
0xa8: {  	s5 =	sshll.u32 s28, $0x1;
	[dreg:$0x2] =	wrdreg s3  }
0xa9: {  	[dreg:$0x3] =	wrdreg s5  }
0xaa: {  	[dreg:$0x4] =	wrdreg $0xC0  }
0xab: {  	_ =	task [dreg:s7], $0x5FFFF  }
0xac: {  	[dreg:$0x1] =	wrdreg $0xFFFFFFFF  }
0xad: {  	[dreg:$0x0] =	wrdreg $0x60  }
0xae: {  	[dreg:$0x2] =	wrdreg s24  }
0xaf: {  	[dreg:$0x3] =	wrdreg s2  }
0xb0: {  	[dreg:$0x4] =	wrdreg $0x9  }
0xb1: {  	_ =	task.clear_ibuf [dreg:s7], $0x5FFFF;
	_ =	strace $0x90000049  }
0xb2: {  	s29 =	simm.s32 $0x9;
	_ =	strace $0x8000004B  }
0xb3: {  	_ =	swait.ge [sflag:s29], $0x1  }
0xb4: {  	[sflag:s29] =	ssyncadd.s32 $0xFFFFFFFF  }
0xb5: {  	_ =	strace $0x9000004B  }
0xb6: {  	_ =	sfence  }
0xb7: {  	s30 =	sld [smem:$0x0];
	_ =	sdelay $0x2  }
0xb8: {  	s31 =	sshll.u32 s1, $0xD;
	s1 =	sshrl.u32 s1, $0x2  }
0xb9: {  	s3 =	sand.u32 $0x4000, s31;
	s1 =	sadd.s32 s1, s30  }
0xba: {  	s0 =	sor.u32 s3, s0;
	s1 =	sshll.u32 s1, $0x11  }
0xbb: {  	s0 =	sor.u32 s1, s0  }
0xbc: {  	s0 =	sadd.s32 $0x8F2B, s0  }
0xbd: {  	[sflag:s0] =	ssyncadd.remote.s32 $0x1  }
0xbe: {  	_ =	sfence.sel $0xFFFF  }
0xbf: {  	[dreg:$0x0] =	wrdreg $0xFFFFFFFF;
	(pc) =	sbr.abs _section_cstart, $3  }
0xc0: {  	[dreg:$0x1] =	wrdreg $0xFFFFFFFF  }
0xc1: {  	_ =	task.clear_ibuf [dreg:s7], $0x2FFFF;
	_ =	strace $0x9FFFFFFF  }
0xc2: {  	(tm) =	ssettm $0x7FFFFFFF  }
0xc3: {  	_ =	shalt  }
tec
execute0_lowered:
.L_overlay_start_1:
0x0: {  	(tag) =	ssettag $0x1  }
0x1: {  	s0 =	rddreg [dreg:$0x0]  }
0x2: {  	s1 =	rddreg [dreg:$0x1]  }
0x3: {  	s3 =	simm.s32 $0x0;
	s2 =	srdreg.scid;
	s4 =	stileid.u32  }
0x4: {  	s16 =	simm.s32 $0xF800;
	s18 =	simm.s32 $0x7800;
	s19 =	simm.s32 $0x1  }
0x5: {  	s20 =	simm.s32 $0x10000;
	s21 =	simm.s32 $0x11000;
	s28 =	simm.s32 $0x11800  }
0x6: {  	s29 =	simm.s32 $0x12800;
	s30 =	simm.s32 $0x13800;
	[smem:$0x7FF] =	sst s3  }
0x7: {  	s2 =	sand.u32 $0x1, s2;
	s4 =	sshll.u32 s4, $0x2;
	s6 =	sadd.s32 $0x19A00, s0  }
0x8: {  	s9 =	sadd.s32 $0x11A00, s0;
	s24 =	sadd.s32 $0x11B00, s0;
	s26 =	sadd.s32 $0x11C00, s0  }
0x9: {  	s13 =	sadd.s32 $0x11D00, s0;
	_ =	strace $0x8000004A;
	[dreg:$0x3] =	wrdreg s9  }
0xa: {  	s5 =	sshll.u32 s2, $0x1;
	s2 =	ssub.s32 $0x2, s2;
	[dreg:$0x4] =	wrdreg s24  }
0xb: {  	[dreg:$0x7] =	wrdreg s26;
	s24 =	simm.s32 $0x2;
	s4 =	sor.u32 s5, s4  }
0xc: {  	s22 =	sshrl.u32 s2, $0x1;
	s8 =	sor.u32 $0x1, s4;
	s7 =	smul.u32 $0xF00, s4  }
0xd: {  	s26 =	simm.s32 $0x10800;
	s2 =	ssub.s32 s2, s22;
	s23 =	smul.u32 $0xF00, s8  }
.Ltmp0:
0xe: {  	s22 =	simm.s32 $0x12000;
	s31 =	smax.u32 s2, $0x1;
	(pc) =	sbr.rel .LBB2_1-.Ltmp0, $4  }
0xf: {  	s9 =	sshll.u32 s8, $0x12;
	s7 =	sadd.s32 s6, s7;
	[dreg:$0x8] =	wrdreg s31  }
0x10: {  	s2 =	simm.s32 $0x0;
	[dreg:$0x5] =	wrdreg s7;
	s25 =	sadd.s32 s6, s23  }
0x11: {  	s7 =	sshll.u32 s4, $0x12;
	s23 =	simm.s32 $0x13000;
	[dreg:$0x6] =	wrdreg s25  }
0x12: {  	s10 =	sor.u32 $0x1000000, s7;
	s11 =	sor.u32 $0x1040000, s7;
	s25 =	simm.s32 $0x4  }
.LBB2_12:
0x13: {  	s0 =	simm.s32 $0x3  }
0x14: {  	_ =	swait.ge [sflag:s0], $0x800  }
0x15: {  	[sflag:s0] =	ssyncset.done $0x0  }
0x16: {  	[sflag:s0] =	ssyncadd.s32 $0xFFFFF800  }
0x17: {  	_ =	swait.ge [sflag:s0], $0x800  }
0x18: {  	[sflag:s0] =	ssyncset.done $0x0  }
0x19: {  	[sflag:s0] =	ssyncadd.s32 $0xFFFFF800  }
0x1a: {  	_ =	swait.ge [sflag:s0], $0x800  }
0x1b: {  	[sflag:s0] =	ssyncset.done $0x0  }
0x1c: {  	[sflag:s0] =	ssyncadd.s32 $0xFFFFF800  }
0x1d: {  	_ =	swait.ge [sflag:s0], $0x800  }
0x1e: {  	[sflag:s0] =	ssyncset.done $0x0  }
0x1f: {  	[sflag:s0] =	ssyncadd.s32 $0xFFFFF800  }
0x20: {  	_ =	swait.ge [sflag:s25], $0x800  }
0x21: {  	[sflag:s25] =	ssyncset.done $0x0  }
0x22: {  	[sflag:s25] =	ssyncadd.s32 $0xFFFFF800  }
0x23: {  	_ =	swait.ge [sflag:s25], $0x800  }
0x24: {  	[sflag:s25] =	ssyncset.done $0x0  }
0x25: {  	[sflag:s25] =	ssyncadd.s32 $0xFFFFF800  }
0x26: {  	_ =	swait.ge [sflag:s25], $0x800  }
0x27: {  	[sflag:s25] =	ssyncset.done $0x0  }
0x28: {  	[sflag:s25] =	ssyncadd.s32 $0xFFFFF800  }
0x29: {  	_ =	swait.ge [sflag:s25], $0x800  }
0x2a: {  	s2 =	rddreg [dreg:$0x9]  }
0x2b: {  	s31 =	rddreg [dreg:$0x8];
	s2 =	sadd.s32 $0x1, s2  }
0x2c: {  	p0 =	sne.s32 s2, s31  }
.Ltmp1:
0x2d: {  	_ = 	snop;
	(pc) =	sbr.rel @!p0 .LBB2_13-.Ltmp1, $3  }
0x2e: {  	_ =	sdelay $0x1  }
0x2f: {  	[sflag:s25] =	ssyncset.done $0x0  }
0x30: {  	[sflag:s25] =	ssyncadd.s32 $0xFFFFF800  }
.LBB2_1:
0x31: {  	[dreg:$0x9] =	wrdreg s2  }
0x32: {  	s0 =	rddreg [dreg:$0x3];
	s12 =	simm.s32 $0xF000  }
0x33: {  	[tilespmem:s12], [sflag:$0x1] =	stream.linear.gather [hbm4b:s0+s3], $0x800, $0x38;
	[tilespmem:$0x14000] =	vst v63  }
0x34: {  	s14 =	rddreg [dreg:$0x4]  }
0x35: {  	[tilespmem:s16], [sflag:$0x2] =	stream.linear.gather [hbm4b:s14+s3], $0x800, $0x38;
	[tilespmem:$0x14000] =	vst v63  }
0x36: {  	s15 =	rddreg [dreg:$0x5];
	s17 =	simm.s32 $0x5  }
0x37: {  	[tilespmem:s3], [sflag:$0x5] =	stream.linear.gather [hbm4b:s15+s3], $0x7800, $0x38;
	[tilespmem:$0x14000] =	vst v63  }
0x38: {  	_ =	swait.ge [sflag:s17], $0x7800  }
0x39: {  	[sflag:s17] =	ssyncset.done $0x0  }
0x3a: {  	s31 =	rddreg [dreg:$0x6];
	[sflag:s17] =	ssyncadd.s32 $0xFFFF8800  }
0x3b: {  	[tilespmem:s18], [sflag:$0x5] =	stream.linear.gather [hbm4b:s31+s3], $0x7800, $0x38;
	[tilespmem:$0x14000] =	vst v63  }
0x3c: {  	_ =	swait.ge [sflag:s17], $0x7800  }
0x3d: {  	[sflag:s17] =	ssyncset.done $0x0  }
0x3e: {  	s2 =	simm.s32 $0x0;
	[sflag:s17] =	ssyncadd.s32 $0xFFFF8800  }
.LBB2_2:
0x3f: {  	_ =	swait.ge [sflag:s19], $0x800  }
0x40: {  	p0 =	seq.s32 s2, $0x0;
	[sflag:s19] =	ssyncset.done $0x0  }
0x41: {  	s0 =	simm.s32 @!p0 $0x3;
	[sflag:s19] =	ssyncadd.s32 $0xFFFFF800  }
0x42: {  	_ =	swait.ge @!p0 [sflag:s0], $0x800  }
0x43: {  	[sflag:s0] =	ssyncset.done @!p0 $0x0  }
0x44: {  	[sflag:s0] =	ssyncadd.s32 @!p0 $0xFFFFF800  }
0x45: {  	_ =	swait.ge @!p0 [sflag:s0], $0x800  }
0x46: {  	[sflag:s0] =	ssyncset.done @!p0 $0x0  }
0x47: {  	[sflag:s0] =	ssyncadd.s32 @!p0 $0xFFFFF800  }
0x48: {  	_ =	swait.ge @!p0 [sflag:s0], $0x800  }
0x49: {  	[sflag:s0] =	ssyncset.done @!p0 $0x0  }
0x4a: {  	[sflag:s0] =	ssyncadd.s32 @!p0 $0xFFFFF800  }
0x4b: {  	_ =	swait.ge @!p0 [sflag:s0], $0x800  }
0x4c: {  	[sflag:s0] =	ssyncset.done @!p0 $0x0  }
0x4d: {  	s15 =	simm.s32 $0xF040;
	[sflag:s0] =	ssyncadd.s32 @!p0 $0xFFFFF800  }
0x4e: {  	v0 =	vld [tilespmem:s15+$0x30];
	_ =	sdelay $0x1  }
0x4f: {  	v1 =	vld [tilespmem:s15+$0xFFFFFFD0];
	_ =	sdelay $0x1  }
0x50: {  	v2 =	vld [tilespmem:s15+$0xFFFFFFE0]  }
0x51: {  	v3 =	vand.u32 $0xFFFF, v0  }
0x52: {  	v4 =	vld [tilespmem:s15+$0xFFFFFFC0]  }
0x53: {  	v5 =	vand.u32 $0xFFFF, v1  }
0x54: {  	v6 =	vld [tilespmem:s15+$0xFFFFFFF0]  }
0x55: {  	v7 =	vld [tilespmem:s15+$0x0];
	v8 =	vand.u32 $0xFFFF, v2  }
0x56: {  	v9 =	vld.idx.msk [tilespmem:v3+s3+$0x0], $0xffff  }
0x57: {  	v10 =	vld [tilespmem:s15+$0x10];
	v11 =	vand.u32 $0xFFFF, v4  }
0x58: {  	v12 =	vld.idx.msk [tilespmem:v5+s3+$0x0], $0xffff  }
0x59: {  	v13 =	vld [tilespmem:s15+$0x20];
	v14 =	vand.u32 $0xFFFF, v6  }
0x5a: {  	v15 =	vld.idx.msk [tilespmem:v8+s3+$0x0], $0xffff  }
0x5b: {  	v16 =	vand.u32 $0xFFFF0000, v1;
	v17 =	vand.u32 $0xFFFF0000, v0;
	v0 =	vshll.u32 v9, $0x10  }
0x5c: {  	v18 =	vand.u32 $0xFFFF, v7;
	v1 =	vld.idx.msk [tilespmem:v11+s3+$0x0], $0xffff;
	v9 =	vand.u32 $0xFFFF0000, v9;
	v0 =	vmul.f32 v0, v17  }
0x5d: {  	s4 =	simm.s32 $0x10040;
	v20 =	vand.u32 $0xFFFF, v10;
	v19 =	vshll.u32 v12, $0x10;
	v9 =	vmul.f32 v9, v17  }
0x5e: {  	s17 =	simm.s32 $0x12040;
	v2 =	vand.u32 $0xFFFF0000, v2;
	v21 =	vld.idx.msk [tilespmem:v14+s3+$0x0], $0xffff;
	v22 =	vand.u32 $0xFFFF0000, v12;
	[tilespmem:s4+$0x30] =	vst v0;
	v0 =	vmul.f32 v19, v16  }
0x5f: {  	v12 =	vand.u32 $0xFFFF, v13;
	v19 =	vshll.u32 v15, $0x10;
	[tilespmem:s17+$0x30] =	vst v9;
	v9 =	vmul.f32 v22, v16  }
0x60: {  	v15 =	vand.u32 $0xFFFF0000, v15;
	[tilespmem:s4+$0xFFFFFFD0] =	vst v0;
	v0 =	vmul.f32 v19, v2;
	v3 =	vld.idx.msk [tilespmem:v3+s18+$0x0], $0xffff  }
0x61: {  	v4 =	vand.u32 $0xFFFF0000, v4;
	v19 =	vshll.u32 v1, $0x10;
	[tilespmem:s17+$0xFFFFFFD0] =	vst v9;
	v9 =	vmul.f32 v15, v2;
	v15 =	vld.idx.msk [tilespmem:v18+s3+$0x0], $0xffff  }
0x62: {  	s8 =	simm.s32 $0xF0C0;
	v22 =	vld.idx.msk [tilespmem:v20+s3+$0x0], $0xffff;
	v1 =	vand.u32 $0xFFFF0000, v1;
	v19 =	vmul.f32 v19, v4;
	[tilespmem:s4+$0xFFFFFFE0] =	vst v0  }
0x63: {  	v25 =	vld [tilespmem:s8+$0xFFFFFFC0];
	v6 =	vand.u32 $0xFFFF0000, v6;
	v1 =	vmul.f32 v1, v4;
	v0 =	vshll.u32 v21, $0x10;
	[tilespmem:s17+$0xFFFFFFE0] =	vst v9  }
0x64: {  	v21 =	vand.u32 $0xFFFF0000, v21;
	v9 =	vld.idx.msk [tilespmem:v12+s3+$0x0], $0xffff;
	v23 =	vmul.f32 v0, v6;
	[tilespmem:s4+$0xFFFFFFC0] =	vst v19;
	v19 =	vand.u32 $0xFFFF0000, v7  }
0x65: {  	v5 =	vld.idx.msk [tilespmem:v5+s18+$0x0], $0xffff;
	v7 =	vmul.f32 v21, v6;
	v0 =	vand.u32 $0xFFFF0000, v13;
	[tilespmem:s17+$0xFFFFFFC0] =	vst v1;
	v1 =	vand.u32 $0xFFFF0000, v10  }
0x66: {  	v8 =	vld.idx.msk [tilespmem:v8+s18+$0x0], $0xffff;
	v10 =	vshll.u32 v3, $0x10;
	[tilespmem:s4+$0xFFFFFFF0] =	vst v23;
	v3 =	vand.u32 $0xFFFF0000, v3;
	v13 =	vshll.u32 v15, $0x10  }
0x67: {  	v11 =	vld.idx.msk [tilespmem:v11+s18+$0x0], $0xffff;
	v10 =	vmul.f32 v10, v17;
	[tilespmem:s17+$0xFFFFFFF0] =	vst v7;
	v7 =	vand.u32 $0xFFFF0000, v15;
	v15 =	vshll.u32 v22, $0x10  }
0x68: {  	s6 =	simm.s32 $0x11040;
	v3 =	vmul.f32 v3, v17;
	v17 =	vand.u32 $0xFFFF0000, v22;
	v22 =	vld [tilespmem:s8+$0x30];
	v13 =	vmul.f32 v13, v19  }
0x69: {  	s5 =	simm.s32 $0x13040;
	v14 =	vld.idx.msk [tilespmem:v14+s18+$0x0], $0xffff;
	v7 =	vmul.f32 v7, v19;
	v21 =	vshll.u32 v9, $0x10;
	[tilespmem:s6+$0x30] =	vst v10;
	v10 =	vmul.f32 v15, v1  }
0x6a: {  	v9 =	vand.u32 $0xFFFF0000, v9;
	v15 =	vmul.f32 v17, v1;
	[tilespmem:s5+$0x30] =	vst v3;
	v3 =	vld [tilespmem:s8+$0xFFFFFFD0];
	v17 =	vmul.f32 v21, v0  }
0x6b: {  	v21 =	vshll.u32 v5, $0x10;
	[tilespmem:s4+$0x0] =	vst v13;
	v13 =	vld [tilespmem:s8+$0xFFFFFFE0];
	v9 =	vmul.f32 v9, v0;
	v5 =	vand.u32 $0xFFFF0000, v5  }
0x6c: {  	v21 =	vmul.f32 v21, v16;
	[tilespmem:s17+$0x0] =	vst v7;
	v7 =	vld [tilespmem:s8+$0xFFFFFFF0];
	v16 =	vmul.f32 v5, v16;
	v5 =	vshll.u32 v8, $0x10  }
0x6d: {  	v8 =	vand.u32 $0xFFFF0000, v8;
	[tilespmem:s4+$0x10] =	vst v10;
	v10 =	vld [tilespmem:s8+$0x0];
	v23 =	vmul.f32 v5, v2;
	v5 =	vshll.u32 v11, $0x10  }
0x6e: {  	[tilespmem:s17+$0x10] =	vst v15;
	v15 =	vld [tilespmem:s8+$0x10];
	v24 =	vand.u32 $0xFFFF, v22;
	v11 =	vand.u32 $0xFFFF0000, v11;
	v26 =	vmul.f32 v8, v2  }
0x6f: {  	[tilespmem:s4+$0x20] =	vst v17;
	v5 =	vmul.f32 v5, v4;
	v2 =	vmul.f32 v11, v4;
	v4 =	vld [tilespmem:s8+$0x20];
	v17 =	vand.u32 $0xFFFF, v3  }
0x70: {  	[tilespmem:s17+$0x20] =	vst v9;
	v11 =	vld.idx.msk [tilespmem:v18+s18+$0x0], $0xffff;
	v27 =	vand.u32 $0xFFFF, v13  }
0x71: {  	v30 =	vand.u32 $0xFFFF, v25;
	v9 =	vand.u32 $0xFFFF0000, v14;
	v20 =	vld.idx.msk [tilespmem:v20+s18+$0x0], $0xffff;
	[tilespmem:s6+$0xFFFFFFD0] =	vst v21;
	v28 =	vand.u32 $0xFFFF, v7  }
0x72: {  	v8 =	vshll.u32 v14, $0x10;
	v18 =	vmul.f32 v9, v6;
	[tilespmem:s6+$0xFFFFFFC0] =	vst v5;
	v5 =	vand.u32 $0xFFFF, v10  }
0x73: {  	[tilespmem:s5+$0xFFFFFFD0] =	vst v16;
	v29 =	vand.u32 $0xFFFF0000, v3;
	v9 =	vand.u32 $0xFFFF0000, v13;
	v3 =	vand.u32 $0xFFFF, v15;
	v13 =	vld.idx.msk [tilespmem:v24+s3+$0x0], $0xffff  }
0x74: {  	v14 =	vmul.f32 v8, v6;
	[tilespmem:s5+$0xFFFFFFC0] =	vst v2;
	v2 =	vand.u32 $0xFFFF0000, v10;
	v10 =	vand.u32 $0xFFFF0000, v25;
	v16 =	vld.idx.msk [tilespmem:v17+s3+$0x0], $0xffff  }
0x75: {  	[tilespmem:s6+$0xFFFFFFE0] =	vst v23;
	v8 =	vand.u32 $0xFFFF0000, v15;
	v6 =	vand.u32 $0xFFFF0000, v4;
	v4 =	vand.u32 $0xFFFF, v4;
	v15 =	vld.idx.msk [tilespmem:v27+s3+$0x0], $0xffff  }
0x76: {  	[tilespmem:s5+$0xFFFFFFE0] =	vst v26;
	v23 =	vshll.u32 v11, $0x10;
	v25 =	vand.u32 $0xFFFF0000, v11;
	v31 =	vshll.u32 v20, $0x10;
	v21 =	vld.idx.msk [tilespmem:v28+s3+$0x0], $0xffff  }
0x77: {  	[tilespmem:s6+$0xFFFFFFF0] =	vst v14;
	v11 =	vand.u32 $0xFFFF0000, v20;
	v20 =	vand.u32 $0xFFFF0000, v22;
	v23 =	vmul.f32 v23, v19;
	v14 =	vld.idx.msk [tilespmem:v5+s3+$0x0], $0xffff  }
0x78: {  	[tilespmem:s5+$0xFFFFFFF0] =	vst v18;
	v19 =	vmul.f32 v25, v19;
	v18 =	vld.idx.msk [tilespmem:v3+s3+$0x0], $0xffff;
	v22 =	vshll.u32 v13, $0x10;
	v13 =	vand.u32 $0xFFFF0000, v13  }
0x79: {  	v7 =	vand.u32 $0xFFFF0000, v7;
	v25 =	vld.idx.msk [tilespmem:v30+s3+$0x0], $0xffff;
	[tilespmem:s6+$0x0] =	vst v23;
	v22 =	vmul.f32 v22, v20;
	v13 =	vmul.f32 v13, v20  }
0x7a: {  	s8 =	simm.s32 $0x100C0;
	[tilespmem:s5+$0x0] =	vst v19;
	v26 =	vshll.u32 v16, $0x10;
	v16 =	vand.u32 $0xFFFF0000, v16;
	v23 =	vshll.u32 v15, $0x10  }
0x7b: {  	s17 =	simm.s32 $0x120C0;
	v19 =	vld.idx.msk [tilespmem:v4+s3+$0x0], $0xffff;
	v15 =	vand.u32 $0xFFFF0000, v15;
	[tilespmem:s8+$0x30] =	vst v22;
	v32 =	vshll.u32 v21, $0x10;
	v22 =	vmul.f32 v26, v29  }
0x7c: {  	v21 =	vand.u32 $0xFFFF0000, v21;
	v26 =	vshll.u32 v14, $0x10;
	[tilespmem:s17+$0x30] =	vst v13;
	v13 =	vmul.f32 v16, v29  }
0x7d: {  	v14 =	vand.u32 $0xFFFF0000, v14;
	v16 =	vshll.u32 v18, $0x10;
	v33 =	vld.idx.msk [tilespmem:v24+s18+$0x0], $0xffff;
	[tilespmem:s8+$0xFFFFFFD0] =	vst v22;
	v22 =	vmul.f32 v23, v9  }
0x7e: {  	v24 =	vand.u32 $0xFFFF0000, v25;
	v23 =	vshll.u32 v25, $0x10;
	[tilespmem:s17+$0xFFFFFFD0] =	vst v13;
	v13 =	vmul.f32 v15, v9  }
0x7f: {  	v12 =	vld.idx.msk [tilespmem:v12+s18+$0x0], $0xffff;
	v62 =	vmul.f32 v21, v7;
	v15 =	vand.u32 $0xFFFF0000, v18;
	v18 =	vmul.f32 v23, v10;
	[tilespmem:s8+$0xFFFFFFE0] =	vst v22  }
0x80: {  	v25 =	vshll.u32 v19, $0x10;
	v21 =	vmul.f32 v16, v8;
	v23 =	vmul.f32 v24, v10;
	v34 =	vld.idx.msk [tilespmem:v17+s18+$0x0], $0xffff;
	[tilespmem:s17+$0xFFFFFFE0] =	vst v13  }
0x81: {  	v19 =	vand.u32 $0xFFFF0000, v19;
	v24 =	vmul.f32 v26, v2;
	v13 =	vmul.f32 v32, v7;
	[tilespmem:s8+$0xFFFFFFC0] =	vst v18  }
0x82: {  	v19 =	vmul.f32 v19, v6;
	v22 =	vmul.f32 v14, v2;
	[tilespmem:s17+$0xFFFFFFC0] =	vst v23;
	v14 =	vshll.u32 v33, $0x10;
	v23 =	vld.idx.msk [tilespmem:v27+s18+$0x0], $0xffff  }
0x83: {  	v17 =	vmul.f32 v15, v8;
	[tilespmem:s8+$0xFFFFFFF0] =	vst v13;
	v13 =	vand.u32 $0xFFFF0000, v33;
	v14 =	vmul.f32 v14, v20  }
0x84: {  	s14 =	simm.s32 $0x110C0;
	v15 =	vshll.u32 v12, $0x10;
	v18 =	vmul.f32 v25, v6;
	v26 =	vld.idx.msk [tilespmem:v30+s18+$0x0], $0xffff;
	[tilespmem:s17+$0xFFFFFFF0] =	vst v62;
	v27 =	vmul.f32 v13, v20  }
0x85: {  	s31 =	simm.s32 $0x130C0;
	v13 =	vmul.f32 v31, v1;
	v16 =	vshll.u32 v34, $0x10;
	v63 =	vand.u32 $0xFFFF0000, v34;
	[tilespmem:s14+$0x30] =	vst v14  }
0x86: {  	s0 =	simm.s32 $0x8;
	s15 =	simm.s32 $0xF140;
	s4 =	sshll.u32 s2, $0x9;
	v14 =	vand.u32 $0xFFFF0000, v12;
	v25 =	vld.idx.msk [tilespmem:v28+s18+$0x0], $0xffff;
	v20 =	vmul.f32 v16, v29;
	v16 =	vmul.f32 v63, v29;
	[tilespmem:s31+$0x30] =	vst v27  }
.LBB2_3:
0x87: {  	v27 =	vld [tilespmem:s15+$0x30];
	v12 =	vshll.u32 v23, $0x10;
	v23 =	vand.u32 $0xFFFF0000, v23;
	[tilespmem:s8+$0x0] =	vst v24;
	v24 =	vmul.f32 v11, v1;
	v1 =	vmovc v8  }
0x88: {  	v8 =	vld [tilespmem:s15+$0xFFFFFFD0];
	v11 =	vmul.f32 v12, v9;
	v23 =	vmul.f32 v23, v9;
	[tilespmem:s17+$0x0] =	vst v22  }
0x89: {  	s0 =	sadd.s32 $0x8, s0;
	v15 =	vmul.f32 v15, v0;
	v9 =	vshll.u32 v26, $0x10;
	v12 =	vand.u32 $0xFFFF0000, v26;
	v22 =	vld [tilespmem:s15+$0xFFFFFFE0];
	[tilespmem:s8+$0x10] =	vst v21  }
0x8a: {  	p1 =	slt.u32 s0, $0x78;
	v9 =	vmul.f32 v9, v10;
	v10 =	vmul.f32 v12, v10;
	v21 =	vld [tilespmem:s15+$0xFFFFFFF0];
	[tilespmem:s17+$0x10] =	vst v17  }
0x8b: {  	v14 =	vmul.f32 v14, v0;
	v0 =	vmovc v6;
	v12 =	vshll.u32 v25, $0x10;
	v25 =	vand.u32 $0xFFFF0000, v25;
	v17 =	vld [tilespmem:s15+$0x0];
	[tilespmem:s8+$0x20] =	vst v18  }
0x8c: {  	v26 =	vmul.f32 v12, v7;
	v25 =	vmul.f32 v25, v7;
	v6 =	vld [tilespmem:s15+$0x10];
	v18 =	vand.u32 $0xFFFF, v27;
	[tilespmem:s17+$0x20] =	vst v19  }
0x8d: {  	v12 =	vand.u32 $0xFFFF0000, v8;
	v19 =	vand.u32 $0xFFFF, v8;
	v28 =	vld [tilespmem:s15+$0x20];
	[tilespmem:s14+$0xFFFFFFC0] =	vst v9  }
0x8e: {  	v29 =	vld [tilespmem:s15+$0xFFFFFFC0];
	v9 =	vand.u32 $0xFFFF0000, v22;
	v22 =	vand.u32 $0xFFFF, v22;
	[tilespmem:s31+$0xFFFFFFC0] =	vst v10  }
0x8f: {  	v7 =	vand.u32 $0xFFFF0000, v21;
	v30 =	vand.u32 $0xFFFF, v21;
	[tilespmem:s14+$0xFFFFFFD0] =	vst v20;
	v20 =	vld.idx.msk [tilespmem:v5+s18+$0x0], $0xffff  }
0x90: {  	v21 =	vand.u32 $0xFFFF0000, v17;
	v5 =	vand.u32 $0xFFFF, v17;
	[tilespmem:s31+$0xFFFFFFD0] =	vst v16;
	v16 =	vld.idx.msk [tilespmem:v3+s18+$0x0], $0xffff  }
0x91: {  	v8 =	vand.u32 $0xFFFF0000, v6;
	v3 =	vand.u32 $0xFFFF, v6;
	v17 =	vld.idx.msk [tilespmem:v18+s3+$0x0], $0xffff;
	[tilespmem:s14+$0xFFFFFFE0] =	vst v11  }
0x92: {  	v31 =	vld.idx.msk [tilespmem:v19+s3+$0x0], $0xffff;
	v6 =	vand.u32 $0xFFFF0000, v28;
	v28 =	vand.u32 $0xFFFF, v28;
	[tilespmem:s31+$0xFFFFFFE0] =	vst v23  }
0x93: {  	v10 =	vand.u32 $0xFFFF0000, v29;
	v29 =	vand.u32 $0xFFFF, v29;
	v23 =	vld.idx.msk [tilespmem:v22+s3+$0x0], $0xffff;
	[tilespmem:s14+$0xFFFFFFF0] =	vst v26  }
0x94: {  	v26 =	vld.idx.msk [tilespmem:v30+s3+$0x0], $0xffff;
	[tilespmem:s31+$0xFFFFFFF0] =	vst v25  }
0x95: {  	v11 =	vshll.u32 v20, $0x10;
	v20 =	vand.u32 $0xFFFF0000, v20;
	v25 =	vld.idx.msk [tilespmem:v5+s3+$0x0], $0xffff;
	[tilespmem:s6+$0x10] =	vst v13  }
0x96: {  	v32 =	vmul.f32 v11, v2;
	v33 =	vshll.u32 v16, $0x10;
	v11 =	vand.u32 $0xFFFF0000, v16;
	v13 =	vld.idx.msk [tilespmem:v3+s3+$0x0], $0xffff;
	[tilespmem:s5+$0x10] =	vst v24  }
0x97: {  	v27 =	vand.u32 $0xFFFF0000, v27;
	v20 =	vmul.f32 v20, v2;
	v2 =	vmovc v21;
	v24 =	vshll.u32 v17, $0x10;
	v16 =	vld.idx.msk [tilespmem:v28+s3+$0x0], $0xffff;
	[tilespmem:s6+$0x20] =	vst v15;
	s6 =	smov.u32 s14  }
0x98: {  	v17 =	vand.u32 $0xFFFF0000, v17;
	v21 =	vshll.u32 v31, $0x10;
	v24 =	vmul.f32 v24, v27;
	v15 =	vld.idx.msk [tilespmem:v29+s3+$0x0], $0xffff;
	[tilespmem:s14+$0x0] =	vst v32  }
0x99: {  	s8 =	sadd.s32 $0x80, s8;
	v31 =	vand.u32 $0xFFFF0000, v31;
	v17 =	vmul.f32 v17, v27;
	v32 =	vshll.u32 v23, $0x10;
	[tilespmem:s31+$0x0] =	vst v20;
	v20 =	vld.idx.msk [tilespmem:v4+s18+$0x0], $0xffff;
	v4 =	vmovc v28  }
0x9a: {  	s17 =	sadd.s32 $0x80, s17;
	v23 =	vand.u32 $0xFFFF0000, v23;
	v28 =	vshll.u32 v26, $0x10;
	v26 =	vand.u32 $0xFFFF0000, v26;
	[tilespmem:s8+$0x30] =	vst v24  }
0x9b: {  	v21 =	vmul.f32 v21, v12;
	v24 =	vshll.u32 v25, $0x10;
	v25 =	vand.u32 $0xFFFF0000, v25;
	[tilespmem:s17+$0x30] =	vst v17  }
0x9c: {  	v17 =	vmul.f32 v31, v12;
	v31 =	vshll.u32 v13, $0x10;
	v13 =	vand.u32 $0xFFFF0000, v13;
	v34 =	vld.idx.msk [tilespmem:v18+s18+$0x0], $0xffff;
	[tilespmem:s5+$0x20] =	vst v14;
	s5 =	smov.u32 s31  }
0x9d: {  	v14 =	vmul.f32 v32, v9;
	v18 =	vshll.u32 v16, $0x10;
	v16 =	vand.u32 $0xFFFF0000, v16;
	[tilespmem:s8+$0xFFFFFFD0] =	vst v21  }
0x9e: {  	v21 =	vshll.u32 v15, $0x10;
	v15 =	vand.u32 $0xFFFF0000, v15;
	[tilespmem:s17+$0xFFFFFFD0] =	vst v17;
	v17 =	vmul.f32 v23, v9  }
0x9f: {  	v21 =	vmul.f32 v21, v10;
	v32 =	vmul.f32 v15, v10;
	v15 =	vshll.u32 v20, $0x10;
	v35 =	vld.idx.msk [tilespmem:v19+s18+$0x0], $0xffff;
	[tilespmem:s8+$0xFFFFFFE0] =	vst v14  }
0xa0: {  	v19 =	vmul.f32 v28, v7;
	v28 =	vmul.f32 v26, v7;
	v14 =	vand.u32 $0xFFFF0000, v20;
	[tilespmem:s17+$0xFFFFFFE0] =	vst v17  }
0xa1: {  	v24 =	vmul.f32 v24, v2;
	[tilespmem:s8+$0xFFFFFFC0] =	vst v21;
	v23 =	vld.idx.msk [tilespmem:v22+s18+$0x0], $0xffff;
	v22 =	vmul.f32 v25, v2  }
.Ltmp2:
0xa2: {  	v17 =	vmul.f32 v13, v8;
	v21 =	vmul.f32 v31, v8;
	v13 =	vshll.u32 v34, $0x10;
	[tilespmem:s17+$0xFFFFFFC0] =	vst v32;
	(pc) =	sbr.rel @p1 .LBB2_3-.Ltmp2, $4  }
0xa3: {  	v18 =	vmul.f32 v18, v6;
	v20 =	vand.u32 $0xFFFF0000, v34;
	v13 =	vmul.f32 v13, v27;
	v26 =	vld.idx.msk [tilespmem:v29+s18+$0x0], $0xffff;
	[tilespmem:s8+$0xFFFFFFF0] =	vst v19  }
0xa4: {  	s14 =	sadd.s32 $0x80, s14;
	v27 =	vmul.f32 v20, v27;
	v19 =	vmul.f32 v16, v6;
	[tilespmem:s17+$0xFFFFFFF0] =	vst v28  }
0xa5: {  	s31 =	sadd.s32 $0x80, s31;
	v16 =	vshll.u32 v35, $0x10;
	v28 =	vand.u32 $0xFFFF0000, v35;
	v25 =	vld.idx.msk [tilespmem:v30+s18+$0x0], $0xffff;
	[tilespmem:s14+$0x30] =	vst v13;
	v13 =	vmul.f32 v33, v1  }
0xa6: {  	s15 =	sadd.s32 $0x80, s15;
	v20 =	vmul.f32 v16, v12;
	v16 =	vmul.f32 v28, v12;
	[tilespmem:s31+$0x30] =	vst v27  }
0xa7: {  	[tilespmem:s8+$0x0] =	vst v24  }
0xa8: {  	[tilespmem:s8+$0x10] =	vst v21  }
0xa9: {  	[tilespmem:s8+$0x20] =	vst v18  }
0xaa: {  	[tilespmem:s6+$0x10] =	vst v13  }
0xab: {  	[tilespmem:s17+$0x0] =	vst v22  }
0xac: {  	[tilespmem:s17+$0x10] =	vst v17  }
0xad: {  	[tilespmem:s17+$0x20] =	vst v19  }
0xae: {  	v1 =	vmul.f32 v11, v1;
	[tilespmem:s14+$0xFFFFFFD0] =	vst v20  }
0xaf: {  	v54 =	vmul.f32 v15, v0;
	[tilespmem:s31+$0xFFFFFFD0] =	vst v16  }
0xb0: {  	v57 =	vmul.f32 v14, v0;
	v12 =	vshll.u32 v26, $0x10;
	[tilespmem:s5+$0x10] =	vst v1  }
0xb1: {  	v46 =	vand.u32 $0xFFFF0000, v26;
	v12 =	vmul.f32 v12, v10;
	v5 =	vld.idx.msk [tilespmem:v5+s18+$0x0], $0xffff;
	[tilespmem:s6+$0x20] =	vst v54  }
0xb2: {  	v48 =	vshll.u32 v23, $0x10;
	v47 =	vmul.f32 v46, v10;
	v3 =	vld.idx.msk [tilespmem:v3+s18+$0x0], $0xffff;
	[tilespmem:s5+$0x20] =	vst v57  }
0xb3: {  	v4 =	vld.idx.msk [tilespmem:v4+s18+$0x0], $0xffff;
	v51 =	vshll.u32 v25, $0x10;
	[tilespmem:s14+$0xFFFFFFC0] =	vst v12;
	v12 =	vmul.f32 v48, v9  }
0xb4: {  	v49 =	vand.u32 $0xFFFF0000, v23;
	v10 =	vmul.f32 v51, v7;
	[tilespmem:s31+$0xFFFFFFC0] =	vst v47  }
0xb5: {  	v50 =	vmul.f32 v49, v9;
	v52 =	vand.u32 $0xFFFF0000, v25;
	[tilespmem:s14+$0xFFFFFFE0] =	vst v12  }
0xb6: {  	v53 =	vmul.f32 v52, v7;
	[tilespmem:s14+$0xFFFFFFF0] =	vst v10;
	v55 =	vshll.u32 v5, $0x10  }
0xb7: {  	[tilespmem:s31+$0xFFFFFFE0] =	vst v50;
	v58 =	vshll.u32 v3, $0x10;
	v9 =	vmul.f32 v55, v2  }
0xb8: {  	[tilespmem:s31+$0xFFFFFFF0] =	vst v53;
	v60 =	vshll.u32 v4, $0x10;
	v59 =	vmul.f32 v58, v8  }
0xb9: {  	v5 =	vand.u32 $0xFFFF0000, v5;
	v0 =	vmul.f32 v60, v6;
	[tilespmem:s14+$0x0] =	vst v9  }
0xba: {  	v3 =	vand.u32 $0xFFFF0000, v3;
	v56 =	vmul.f32 v5, v2;
	[tilespmem:s14+$0x10] =	vst v59  }
0xbb: {  	s5 =	sshll.u32 s2, $0xC;
	v62 =	vand.u32 $0xFFFF0000, v4;
	v61 =	vmul.f32 v3, v8;
	[tilespmem:s14+$0x20] =	vst v0  }
0xbc: {  	s0 =	sor.u32 s7, s5;
	v63 =	vmul.f32 v62, v6;
	[tilespmem:s31+$0x0] =	vst v56  }
0xbd: {  	s0 =	sshrl.u32 s0, $0x3;
	[tilespmem:s31+$0x10] =	vst v61  }
0xbe: {  	s15 =	sor.u32 s9, s5;
	s0 =	sadd.s32 s1, s0;
	[tilespmem:s31+$0x20] =	vst v63  }
0xbf: {  	[hbm4b:s0+s3] =	stream.linear.scatter [tilespmem:s20], [sflag:$0x3], $0x800, $0x38;
	[tilespmem:$0x14000] =	vst v63  }
0xc0: {  	s0 =	sshrl.u32 s15, $0x3  }
0xc1: {  	s17 =	sor.u32 s10, s5;
	s0 =	sadd.s32 s1, s0  }
0xc2: {  	[hbm4b:s0+s3] =	stream.linear.scatter [tilespmem:s21], [sflag:$0x3], $0x800, $0x38;
	[tilespmem:$0x14000] =	vst v63  }
0xc3: {  	p1 =	sne.s32 s2, $0x3F;
	s0 =	sshrl.u32 s17, $0x3  }
.Ltmp3:
0xc4: {  	s31 =	sor.u32 s11, s5;
	s0 =	sadd.s32 s1, s0;
	(pc) =	sbr.rel @p1 .LBB2_6-.Ltmp3, $4  }
0xc5: {  	[hbm4b:s0+s3] =	stream.linear.scatter [tilespmem:s22], [sflag:$0x3], $0x800, $0x38;
	[tilespmem:$0x14000] =	vst v63  }
0xc6: {  	s0 =	sshrl.u32 s31, $0x3  }
0xc7: {  	s0 =	sadd.s32 s1, s0  }
0xc8: {  	[hbm4b:s0+s3] =	stream.linear.scatter [tilespmem:s23], [sflag:$0x3], $0x800, $0x38;
	[tilespmem:$0x14000] =	vst v63  }
.Ltmp4:
0xc9: {  	(pc) =	sbr.rel .LBB2_7-.Ltmp4, $4  }
0xca: {  	_ = 	snop  }
0xcb: {  	_ =	swait.ge [sflag:s24], $0x800  }
0xcc: {  	[sflag:s24] =	ssyncset.done $0x0  }
0xcd: {  	[sflag:s24] =	ssyncadd.s32 $0xFFFFF800  }
.LBB2_6:
0xce: {  	s0 =	rddreg [dreg:$0x7]  }
.Ltmp5:
0xcf: {  	s6 =	simm.s32 $0xF000;
	s0 =	sadd.s32 s4, s0;
	(pc) =	sbr.rel @p0 .LBB2_8-.Ltmp5, $4  }
0xd0: {  	[tilespmem:s6], [sflag:$0x1] =	stream.linear.gather [hbm4b:s0+s3], $0x800, $0x38;
	[tilespmem:$0x14000] =	vst v63  }
0xd1: {  	_ =	swait.ge [sflag:s24], $0x800  }
0xd2: {  	[sflag:s24] =	ssyncset.done $0x0  }
0xd3: {  	[sflag:s24] =	ssyncadd.s32 $0xFFFFF800  }
.LBB2_7:
0xd4: {  	_ =	swait.ge [sflag:s25], $0x800  }
0xd5: {  	[sflag:s25] =	ssyncset.done $0x0  }
0xd6: {  	[sflag:s25] =	ssyncadd.s32 $0xFFFFF800  }
0xd7: {  	_ =	swait.ge [sflag:s25], $0x800  }
0xd8: {  	[sflag:s25] =	ssyncset.done $0x0  }
0xd9: {  	[sflag:s25] =	ssyncadd.s32 $0xFFFFF800  }
0xda: {  	_ =	swait.ge [sflag:s25], $0x800  }
0xdb: {  	[sflag:s25] =	ssyncset.done $0x0  }
0xdc: {  	[sflag:s25] =	ssyncadd.s32 $0xFFFFF800  }
0xdd: {  	_ =	swait.ge [sflag:s25], $0x800  }
0xde: {  	[sflag:s25] =	ssyncset.done $0x0  }
0xdf: {  	[sflag:s25] =	ssyncadd.s32 $0xFFFFF800  }
.LBB2_8:
0xe0: {  	s0 =	simm.s32 $0xF870  }
0xe1: {  	v0 =	vld [tilespmem:s0+$0x0];
	_ =	sdelay $0x1  }
0xe2: {  	v1 =	vld [tilespmem:s0+$0xFFFFFFA0];
	_ =	sdelay $0x1  }
0xe3: {  	v2 =	vld [tilespmem:s0+$0xFFFFFFB0]  }
0xe4: {  	v3 =	vand.u32 $0xFFFF, v0  }
0xe5: {  	v4 =	vld [tilespmem:s0+$0xFFFFFF90]  }
0xe6: {  	v5 =	vand.u32 $0xFFFF, v1  }
0xe7: {  	v6 =	vld [tilespmem:s0+$0xFFFFFFC0]  }
0xe8: {  	v7 =	vld [tilespmem:s0+$0xFFFFFFD0];
	v8 =	vand.u32 $0xFFFF, v2  }
0xe9: {  	v9 =	vld.idx.msk [tilespmem:v3+s3+$0x0], $0xffff  }
0xea: {  	v10 =	vld [tilespmem:s0+$0xFFFFFFE0];
	v11 =	vand.u32 $0xFFFF, v4  }
0xeb: {  	v12 =	vld.idx.msk [tilespmem:v5+s3+$0x0], $0xffff  }
0xec: {  	v13 =	vld [tilespmem:s0+$0xFFFFFFF0];
	v14 =	vand.u32 $0xFFFF, v6  }
0xed: {  	v15 =	vld.idx.msk [tilespmem:v8+s3+$0x0], $0xffff  }
0xee: {  	v16 =	vand.u32 $0xFFFF0000, v1;
	v17 =	vand.u32 $0xFFFF0000, v0;
	v0 =	vshll.u32 v9, $0x10  }
0xef: {  	v18 =	vand.u32 $0xFFFF, v7;
	v1 =	vld.idx.msk [tilespmem:v11+s3+$0x0], $0xffff;
	v9 =	vand.u32 $0xFFFF0000, v9;
	v0 =	vmul.f32 v0, v17  }
0xf0: {  	s12 =	simm.s32 $0x10870;
	v20 =	vand.u32 $0xFFFF, v10;
	v19 =	vshll.u32 v12, $0x10;
	v9 =	vmul.f32 v9, v17  }
0xf1: {  	s17 =	simm.s32 $0x12870;
	v2 =	vand.u32 $0xFFFF0000, v2;
	v21 =	vld.idx.msk [tilespmem:v14+s3+$0x0], $0xffff;
	v22 =	vand.u32 $0xFFFF0000, v12;
	[tilespmem:s12+$0x0] =	vst v0;
	v0 =	vmul.f32 v19, v16  }
0xf2: {  	v12 =	vand.u32 $0xFFFF, v13;
	v19 =	vshll.u32 v15, $0x10;
	[tilespmem:s17+$0x0] =	vst v9;
	v9 =	vmul.f32 v22, v16  }
0xf3: {  	v15 =	vand.u32 $0xFFFF0000, v15;
	[tilespmem:s12+$0xFFFFFFA0] =	vst v0;
	v0 =	vmul.f32 v19, v2;
	v3 =	vld.idx.msk [tilespmem:v3+s18+$0x0], $0xffff  }
0xf4: {  	v4 =	vand.u32 $0xFFFF0000, v4;
	v19 =	vshll.u32 v1, $0x10;
	[tilespmem:s17+$0xFFFFFFA0] =	vst v9;
	v9 =	vmul.f32 v15, v2;
	v15 =	vld.idx.msk [tilespmem:v18+s3+$0x0], $0xffff  }
0xf5: {  	s14 =	simm.s32 $0xF8F0;
	v22 =	vld.idx.msk [tilespmem:v20+s3+$0x0], $0xffff;
	v1 =	vand.u32 $0xFFFF0000, v1;
	v19 =	vmul.f32 v19, v4;
	[tilespmem:s12+$0xFFFFFFB0] =	vst v0  }
0xf6: {  	v25 =	vld [tilespmem:s14+$0xFFFFFF90];
	v6 =	vand.u32 $0xFFFF0000, v6;
	v1 =	vmul.f32 v1, v4;
	v0 =	vshll.u32 v21, $0x10;
	[tilespmem:s17+$0xFFFFFFB0] =	vst v9  }
0xf7: {  	v21 =	vand.u32 $0xFFFF0000, v21;
	v9 =	vld.idx.msk [tilespmem:v12+s3+$0x0], $0xffff;
	v23 =	vmul.f32 v0, v6;
	[tilespmem:s12+$0xFFFFFF90] =	vst v19;
	v19 =	vand.u32 $0xFFFF0000, v7  }
0xf8: {  	v5 =	vld.idx.msk [tilespmem:v5+s18+$0x0], $0xffff;
	v7 =	vmul.f32 v21, v6;
	v0 =	vand.u32 $0xFFFF0000, v13;
	[tilespmem:s17+$0xFFFFFF90] =	vst v1;
	v1 =	vand.u32 $0xFFFF0000, v10  }
0xf9: {  	v8 =	vld.idx.msk [tilespmem:v8+s18+$0x0], $0xffff;
	v10 =	vshll.u32 v3, $0x10;
	[tilespmem:s12+$0xFFFFFFC0] =	vst v23;
	v3 =	vand.u32 $0xFFFF0000, v3;
	v13 =	vshll.u32 v15, $0x10  }
0xfa: {  	v11 =	vld.idx.msk [tilespmem:v11+s18+$0x0], $0xffff;
	v10 =	vmul.f32 v10, v17;
	[tilespmem:s17+$0xFFFFFFC0] =	vst v7;
	v7 =	vand.u32 $0xFFFF0000, v15;
	v15 =	vshll.u32 v22, $0x10  }
0xfb: {  	s8 =	simm.s32 $0x11870;
	v3 =	vmul.f32 v3, v17;
	v17 =	vand.u32 $0xFFFF0000, v22;
	v22 =	vld [tilespmem:s14+$0x0];
	v13 =	vmul.f32 v13, v19  }
0xfc: {  	s6 =	simm.s32 $0x13870;
	v14 =	vld.idx.msk [tilespmem:v14+s18+$0x0], $0xffff;
	v7 =	vmul.f32 v7, v19;
	v21 =	vshll.u32 v9, $0x10;
	[tilespmem:s8+$0x0] =	vst v10;
	v10 =	vmul.f32 v15, v1  }
0xfd: {  	v9 =	vand.u32 $0xFFFF0000, v9;
	v15 =	vmul.f32 v17, v1;
	[tilespmem:s6+$0x0] =	vst v3;
	v3 =	vld [tilespmem:s14+$0xFFFFFFA0];
	v17 =	vmul.f32 v21, v0  }
0xfe: {  	v21 =	vshll.u32 v5, $0x10;
	[tilespmem:s12+$0xFFFFFFD0] =	vst v13;
	v13 =	vld [tilespmem:s14+$0xFFFFFFB0];
	v9 =	vmul.f32 v9, v0;
	v5 =	vand.u32 $0xFFFF0000, v5  }
0xff: {  	v21 =	vmul.f32 v21, v16;
	[tilespmem:s17+$0xFFFFFFD0] =	vst v7;
	v7 =	vld [tilespmem:s14+$0xFFFFFFC0];
	v16 =	vmul.f32 v5, v16;
	v5 =	vshll.u32 v8, $0x10  }
0x100: {  	v8 =	vand.u32 $0xFFFF0000, v8;
	[tilespmem:s12+$0xFFFFFFE0] =	vst v10;
	v10 =	vld [tilespmem:s14+$0xFFFFFFD0];
	v23 =	vmul.f32 v5, v2;
	v5 =	vshll.u32 v11, $0x10  }
0x101: {  	[tilespmem:s17+$0xFFFFFFE0] =	vst v15;
	v15 =	vld [tilespmem:s14+$0xFFFFFFE0];
	v24 =	vand.u32 $0xFFFF, v22;
	v11 =	vand.u32 $0xFFFF0000, v11;
	v26 =	vmul.f32 v8, v2  }
0x102: {  	[tilespmem:s12+$0xFFFFFFF0] =	vst v17;
	v5 =	vmul.f32 v5, v4;
	v2 =	vmul.f32 v11, v4;
	v4 =	vld [tilespmem:s14+$0xFFFFFFF0];
	v17 =	vand.u32 $0xFFFF, v3  }
0x103: {  	[tilespmem:s17+$0xFFFFFFF0] =	vst v9;
	v11 =	vld.idx.msk [tilespmem:v18+s18+$0x0], $0xffff;
	v27 =	vand.u32 $0xFFFF, v13  }
0x104: {  	v30 =	vand.u32 $0xFFFF, v25;
	v9 =	vand.u32 $0xFFFF0000, v14;
	v20 =	vld.idx.msk [tilespmem:v20+s18+$0x0], $0xffff;
	[tilespmem:s8+$0xFFFFFFA0] =	vst v21;
	v28 =	vand.u32 $0xFFFF, v7  }
0x105: {  	v8 =	vshll.u32 v14, $0x10;
	v18 =	vmul.f32 v9, v6;
	[tilespmem:s8+$0xFFFFFF90] =	vst v5;
	v5 =	vand.u32 $0xFFFF, v10  }
0x106: {  	[tilespmem:s6+$0xFFFFFFA0] =	vst v16;
	v29 =	vand.u32 $0xFFFF0000, v3;
	v9 =	vand.u32 $0xFFFF0000, v13;
	v3 =	vand.u32 $0xFFFF, v15;
	v13 =	vld.idx.msk [tilespmem:v24+s3+$0x0], $0xffff  }
0x107: {  	v14 =	vmul.f32 v8, v6;
	[tilespmem:s6+$0xFFFFFF90] =	vst v2;
	v2 =	vand.u32 $0xFFFF0000, v10;
	v10 =	vand.u32 $0xFFFF0000, v25;
	v16 =	vld.idx.msk [tilespmem:v17+s3+$0x0], $0xffff  }
0x108: {  	[tilespmem:s8+$0xFFFFFFB0] =	vst v23;
	v8 =	vand.u32 $0xFFFF0000, v15;
	v6 =	vand.u32 $0xFFFF0000, v4;
	v4 =	vand.u32 $0xFFFF, v4;
	v15 =	vld.idx.msk [tilespmem:v27+s3+$0x0], $0xffff  }
0x109: {  	[tilespmem:s6+$0xFFFFFFB0] =	vst v26;
	v23 =	vshll.u32 v11, $0x10;
	v25 =	vand.u32 $0xFFFF0000, v11;
	v31 =	vshll.u32 v20, $0x10;
	v21 =	vld.idx.msk [tilespmem:v28+s3+$0x0], $0xffff  }
0x10a: {  	[tilespmem:s8+$0xFFFFFFC0] =	vst v14;
	v11 =	vand.u32 $0xFFFF0000, v20;
	v20 =	vand.u32 $0xFFFF0000, v22;
	v23 =	vmul.f32 v23, v19;
	v14 =	vld.idx.msk [tilespmem:v5+s3+$0x0], $0xffff  }
0x10b: {  	[tilespmem:s6+$0xFFFFFFC0] =	vst v18;
	v19 =	vmul.f32 v25, v19;
	v18 =	vld.idx.msk [tilespmem:v3+s3+$0x0], $0xffff;
	v22 =	vshll.u32 v13, $0x10;
	v13 =	vand.u32 $0xFFFF0000, v13  }
0x10c: {  	v7 =	vand.u32 $0xFFFF0000, v7;
	v25 =	vld.idx.msk [tilespmem:v30+s3+$0x0], $0xffff;
	[tilespmem:s8+$0xFFFFFFD0] =	vst v23;
	v22 =	vmul.f32 v22, v20;
	v13 =	vmul.f32 v13, v20  }
0x10d: {  	s14 =	simm.s32 $0x108F0;
	[tilespmem:s6+$0xFFFFFFD0] =	vst v19;
	v26 =	vshll.u32 v16, $0x10;
	v16 =	vand.u32 $0xFFFF0000, v16;
	v23 =	vshll.u32 v15, $0x10  }
0x10e: {  	s31 =	simm.s32 $0x128F0;
	v19 =	vld.idx.msk [tilespmem:v4+s3+$0x0], $0xffff;
	v15 =	vand.u32 $0xFFFF0000, v15;
	[tilespmem:s14+$0x0] =	vst v22;
	v32 =	vshll.u32 v21, $0x10;
	v22 =	vmul.f32 v26, v29  }
0x10f: {  	v21 =	vand.u32 $0xFFFF0000, v21;
	v26 =	vshll.u32 v14, $0x10;
	[tilespmem:s31+$0x0] =	vst v13;
	v13 =	vmul.f32 v16, v29  }
0x110: {  	v14 =	vand.u32 $0xFFFF0000, v14;
	v16 =	vshll.u32 v18, $0x10;
	v33 =	vld.idx.msk [tilespmem:v24+s18+$0x0], $0xffff;
	[tilespmem:s14+$0xFFFFFFA0] =	vst v22;
	v22 =	vmul.f32 v23, v9  }
0x111: {  	v24 =	vand.u32 $0xFFFF0000, v25;
	v23 =	vshll.u32 v25, $0x10;
	[tilespmem:s31+$0xFFFFFFA0] =	vst v13;
	v13 =	vmul.f32 v15, v9  }
0x112: {  	v12 =	vld.idx.msk [tilespmem:v12+s18+$0x0], $0xffff;
	v62 =	vmul.f32 v21, v7;
	v15 =	vand.u32 $0xFFFF0000, v18;
	v18 =	vmul.f32 v23, v10;
	[tilespmem:s14+$0xFFFFFFB0] =	vst v22  }
0x113: {  	v25 =	vshll.u32 v19, $0x10;
	v21 =	vmul.f32 v16, v8;
	v23 =	vmul.f32 v24, v10;
	v34 =	vld.idx.msk [tilespmem:v17+s18+$0x0], $0xffff;
	[tilespmem:s31+$0xFFFFFFB0] =	vst v13  }
0x114: {  	v19 =	vand.u32 $0xFFFF0000, v19;
	v24 =	vmul.f32 v26, v2;
	v13 =	vmul.f32 v32, v7;
	[tilespmem:s14+$0xFFFFFF90] =	vst v18  }
0x115: {  	v19 =	vmul.f32 v19, v6;
	v22 =	vmul.f32 v14, v2;
	[tilespmem:s31+$0xFFFFFF90] =	vst v23;
	v14 =	vshll.u32 v33, $0x10;
	v23 =	vld.idx.msk [tilespmem:v27+s18+$0x0], $0xffff  }
0x116: {  	v17 =	vmul.f32 v15, v8;
	[tilespmem:s14+$0xFFFFFFC0] =	vst v13;
	v13 =	vand.u32 $0xFFFF0000, v33;
	v14 =	vmul.f32 v14, v20  }
0x117: {  	s17 =	simm.s32 $0x118F0;
	v15 =	vshll.u32 v12, $0x10;
	v18 =	vmul.f32 v25, v6;
	v26 =	vld.idx.msk [tilespmem:v30+s18+$0x0], $0xffff;
	[tilespmem:s31+$0xFFFFFFC0] =	vst v62;
	v27 =	vmul.f32 v13, v20  }
0x118: {  	s0 =	simm.s32 $0x138F0;
	v13 =	vmul.f32 v31, v1;
	v16 =	vshll.u32 v34, $0x10;
	v63 =	vand.u32 $0xFFFF0000, v34;
	[tilespmem:s17+$0x0] =	vst v14  }
0x119: {  	s15 =	simm.s32 $0x8;
	s12 =	simm.s32 $0xF970;
	v14 =	vand.u32 $0xFFFF0000, v12;
	v25 =	vld.idx.msk [tilespmem:v28+s18+$0x0], $0xffff;
	v20 =	vmul.f32 v16, v29;
	v16 =	vmul.f32 v63, v29;
	[tilespmem:s0+$0x0] =	vst v27  }
.LBB2_9:
0x11a: {  	v27 =	vld [tilespmem:s12+$0x0];
	v12 =	vshll.u32 v23, $0x10;
	v23 =	vand.u32 $0xFFFF0000, v23;
	[tilespmem:s14+$0xFFFFFFD0] =	vst v24;
	v24 =	vmul.f32 v11, v1;
	v1 =	vmovc v8  }
0x11b: {  	v8 =	vld [tilespmem:s12+$0xFFFFFFA0];
	v11 =	vmul.f32 v12, v9;
	v23 =	vmul.f32 v23, v9;
	[tilespmem:s31+$0xFFFFFFD0] =	vst v22  }
0x11c: {  	s15 =	sadd.s32 $0x8, s15;
	v15 =	vmul.f32 v15, v0;
	v9 =	vshll.u32 v26, $0x10;
	v12 =	vand.u32 $0xFFFF0000, v26;
	v22 =	vld [tilespmem:s12+$0xFFFFFFB0];
	[tilespmem:s14+$0xFFFFFFE0] =	vst v21  }
0x11d: {  	p0 =	slt.u32 s15, $0x78;
	v9 =	vmul.f32 v9, v10;
	v10 =	vmul.f32 v12, v10;
	v21 =	vld [tilespmem:s12+$0xFFFFFFC0];
	[tilespmem:s31+$0xFFFFFFE0] =	vst v17  }
0x11e: {  	v14 =	vmul.f32 v14, v0;
	v0 =	vmovc v6;
	v12 =	vshll.u32 v25, $0x10;
	v25 =	vand.u32 $0xFFFF0000, v25;
	v17 =	vld [tilespmem:s12+$0xFFFFFFD0];
	[tilespmem:s14+$0xFFFFFFF0] =	vst v18  }
0x11f: {  	v26 =	vmul.f32 v12, v7;
	v25 =	vmul.f32 v25, v7;
	v6 =	vld [tilespmem:s12+$0xFFFFFFE0];
	v18 =	vand.u32 $0xFFFF, v27;
	[tilespmem:s31+$0xFFFFFFF0] =	vst v19  }
0x120: {  	v12 =	vand.u32 $0xFFFF0000, v8;
	v19 =	vand.u32 $0xFFFF, v8;
	v28 =	vld [tilespmem:s12+$0xFFFFFFF0];
	[tilespmem:s17+$0xFFFFFF90] =	vst v9  }
0x121: {  	v29 =	vld [tilespmem:s12+$0xFFFFFF90];
	v9 =	vand.u32 $0xFFFF0000, v22;
	v22 =	vand.u32 $0xFFFF, v22;
	[tilespmem:s0+$0xFFFFFF90] =	vst v10  }
0x122: {  	v7 =	vand.u32 $0xFFFF0000, v21;
	v30 =	vand.u32 $0xFFFF, v21;
	[tilespmem:s17+$0xFFFFFFA0] =	vst v20;
	v20 =	vld.idx.msk [tilespmem:v5+s18+$0x0], $0xffff  }
0x123: {  	v21 =	vand.u32 $0xFFFF0000, v17;
	v5 =	vand.u32 $0xFFFF, v17;
	[tilespmem:s0+$0xFFFFFFA0] =	vst v16;
	v16 =	vld.idx.msk [tilespmem:v3+s18+$0x0], $0xffff  }
0x124: {  	v8 =	vand.u32 $0xFFFF0000, v6;
	v3 =	vand.u32 $0xFFFF, v6;
	v17 =	vld.idx.msk [tilespmem:v18+s3+$0x0], $0xffff;
	[tilespmem:s17+$0xFFFFFFB0] =	vst v11  }
0x125: {  	v31 =	vld.idx.msk [tilespmem:v19+s3+$0x0], $0xffff;
	v6 =	vand.u32 $0xFFFF0000, v28;
	v28 =	vand.u32 $0xFFFF, v28;
	[tilespmem:s0+$0xFFFFFFB0] =	vst v23  }
0x126: {  	v10 =	vand.u32 $0xFFFF0000, v29;
	v29 =	vand.u32 $0xFFFF, v29;
	v23 =	vld.idx.msk [tilespmem:v22+s3+$0x0], $0xffff;
	[tilespmem:s17+$0xFFFFFFC0] =	vst v26  }
0x127: {  	v26 =	vld.idx.msk [tilespmem:v30+s3+$0x0], $0xffff;
	[tilespmem:s0+$0xFFFFFFC0] =	vst v25  }
0x128: {  	v11 =	vshll.u32 v20, $0x10;
	v20 =	vand.u32 $0xFFFF0000, v20;
	v25 =	vld.idx.msk [tilespmem:v5+s3+$0x0], $0xffff;
	[tilespmem:s8+$0xFFFFFFE0] =	vst v13  }
0x129: {  	v32 =	vmul.f32 v11, v2;
	v33 =	vshll.u32 v16, $0x10;
	v11 =	vand.u32 $0xFFFF0000, v16;
	v13 =	vld.idx.msk [tilespmem:v3+s3+$0x0], $0xffff;
	[tilespmem:s6+$0xFFFFFFE0] =	vst v24  }
0x12a: {  	v27 =	vand.u32 $0xFFFF0000, v27;
	v20 =	vmul.f32 v20, v2;
	v2 =	vmovc v21;
	v24 =	vshll.u32 v17, $0x10;
	v16 =	vld.idx.msk [tilespmem:v28+s3+$0x0], $0xffff;
	[tilespmem:s8+$0xFFFFFFF0] =	vst v15;
	s8 =	smov.u32 s17  }
0x12b: {  	v17 =	vand.u32 $0xFFFF0000, v17;
	v21 =	vshll.u32 v31, $0x10;
	v24 =	vmul.f32 v24, v27;
	v15 =	vld.idx.msk [tilespmem:v29+s3+$0x0], $0xffff;
	[tilespmem:s17+$0xFFFFFFD0] =	vst v32  }
0x12c: {  	s14 =	sadd.s32 $0x80, s14;
	v31 =	vand.u32 $0xFFFF0000, v31;
	v17 =	vmul.f32 v17, v27;
	v32 =	vshll.u32 v23, $0x10;
	[tilespmem:s0+$0xFFFFFFD0] =	vst v20;
	v20 =	vld.idx.msk [tilespmem:v4+s18+$0x0], $0xffff;
	v4 =	vmovc v28  }
0x12d: {  	s31 =	sadd.s32 $0x80, s31;
	v23 =	vand.u32 $0xFFFF0000, v23;
	v28 =	vshll.u32 v26, $0x10;
	v26 =	vand.u32 $0xFFFF0000, v26;
	[tilespmem:s14+$0x0] =	vst v24  }
0x12e: {  	v21 =	vmul.f32 v21, v12;
	v24 =	vshll.u32 v25, $0x10;
	v25 =	vand.u32 $0xFFFF0000, v25;
	[tilespmem:s31+$0x0] =	vst v17  }
0x12f: {  	v17 =	vmul.f32 v31, v12;
	v31 =	vshll.u32 v13, $0x10;
	v13 =	vand.u32 $0xFFFF0000, v13;
	v34 =	vld.idx.msk [tilespmem:v18+s18+$0x0], $0xffff;
	[tilespmem:s6+$0xFFFFFFF0] =	vst v14;
	s6 =	smov.u32 s0  }
0x130: {  	v14 =	vmul.f32 v32, v9;
	v18 =	vshll.u32 v16, $0x10;
	v16 =	vand.u32 $0xFFFF0000, v16;
	[tilespmem:s14+$0xFFFFFFA0] =	vst v21  }
0x131: {  	v21 =	vshll.u32 v15, $0x10;
	v15 =	vand.u32 $0xFFFF0000, v15;
	[tilespmem:s31+$0xFFFFFFA0] =	vst v17;
	v17 =	vmul.f32 v23, v9  }
0x132: {  	v21 =	vmul.f32 v21, v10;
	v32 =	vmul.f32 v15, v10;
	v15 =	vshll.u32 v20, $0x10;
	v35 =	vld.idx.msk [tilespmem:v19+s18+$0x0], $0xffff;
	[tilespmem:s14+$0xFFFFFFB0] =	vst v14  }
0x133: {  	v19 =	vmul.f32 v28, v7;
	v28 =	vmul.f32 v26, v7;
	v14 =	vand.u32 $0xFFFF0000, v20;
	[tilespmem:s31+$0xFFFFFFB0] =	vst v17  }
0x134: {  	v24 =	vmul.f32 v24, v2;
	[tilespmem:s14+$0xFFFFFF90] =	vst v21;
	v23 =	vld.idx.msk [tilespmem:v22+s18+$0x0], $0xffff;
	v22 =	vmul.f32 v25, v2  }
.Ltmp6:
0x135: {  	v17 =	vmul.f32 v13, v8;
	v21 =	vmul.f32 v31, v8;
	v13 =	vshll.u32 v34, $0x10;
	[tilespmem:s31+$0xFFFFFF90] =	vst v32;
	(pc) =	sbr.rel @p0 .LBB2_9-.Ltmp6, $4  }
0x136: {  	v18 =	vmul.f32 v18, v6;
	v20 =	vand.u32 $0xFFFF0000, v34;
	v13 =	vmul.f32 v13, v27;
	v26 =	vld.idx.msk [tilespmem:v29+s18+$0x0], $0xffff;
	[tilespmem:s14+$0xFFFFFFC0] =	vst v19  }
0x137: {  	s17 =	sadd.s32 $0x80, s17;
	v27 =	vmul.f32 v20, v27;
	v19 =	vmul.f32 v16, v6;
	[tilespmem:s31+$0xFFFFFFC0] =	vst v28  }
0x138: {  	s0 =	sadd.s32 $0x80, s0;
	v16 =	vshll.u32 v35, $0x10;
	v28 =	vand.u32 $0xFFFF0000, v35;
	v25 =	vld.idx.msk [tilespmem:v30+s18+$0x0], $0xffff;
	[tilespmem:s17+$0x0] =	vst v13;
	v13 =	vmul.f32 v33, v1  }
0x139: {  	s12 =	sadd.s32 $0x80, s12;
	v20 =	vmul.f32 v16, v12;
	v16 =	vmul.f32 v28, v12;
	[tilespmem:s0+$0x0] =	vst v27  }
0x13a: {  	[tilespmem:s14+$0xFFFFFFD0] =	vst v24  }
0x13b: {  	[tilespmem:s14+$0xFFFFFFE0] =	vst v21  }
0x13c: {  	[tilespmem:s14+$0xFFFFFFF0] =	vst v18  }
0x13d: {  	[tilespmem:s8+$0xFFFFFFE0] =	vst v13  }
0x13e: {  	[tilespmem:s31+$0xFFFFFFD0] =	vst v22  }
0x13f: {  	[tilespmem:s31+$0xFFFFFFE0] =	vst v17  }
0x140: {  	[tilespmem:s31+$0xFFFFFFF0] =	vst v19  }
0x141: {  	v1 =	vmul.f32 v11, v1;
	[tilespmem:s17+$0xFFFFFFA0] =	vst v20  }
0x142: {  	v54 =	vmul.f32 v15, v0;
	[tilespmem:s0+$0xFFFFFFA0] =	vst v16  }
0x143: {  	v57 =	vmul.f32 v14, v0;
	v12 =	vshll.u32 v26, $0x10;
	[tilespmem:s6+$0xFFFFFFE0] =	vst v1  }
0x144: {  	v46 =	vand.u32 $0xFFFF0000, v26;
	v12 =	vmul.f32 v12, v10;
	v5 =	vld.idx.msk [tilespmem:v5+s18+$0x0], $0xffff;
	[tilespmem:s8+$0xFFFFFFF0] =	vst v54  }
0x145: {  	v48 =	vshll.u32 v23, $0x10;
	v47 =	vmul.f32 v46, v10;
	v3 =	vld.idx.msk [tilespmem:v3+s18+$0x0], $0xffff;
	[tilespmem:s6+$0xFFFFFFF0] =	vst v57  }
0x146: {  	v4 =	vld.idx.msk [tilespmem:v4+s18+$0x0], $0xffff;
	v51 =	vshll.u32 v25, $0x10;
	[tilespmem:s17+$0xFFFFFF90] =	vst v12;
	v12 =	vmul.f32 v48, v9  }
0x147: {  	v49 =	vand.u32 $0xFFFF0000, v23;
	v10 =	vmul.f32 v51, v7;
	[tilespmem:s0+$0xFFFFFF90] =	vst v47  }
0x148: {  	v50 =	vmul.f32 v49, v9;
	v52 =	vand.u32 $0xFFFF0000, v25;
	[tilespmem:s17+$0xFFFFFFB0] =	vst v12  }
0x149: {  	v53 =	vmul.f32 v52, v7;
	[tilespmem:s17+$0xFFFFFFC0] =	vst v10;
	v55 =	vshll.u32 v5, $0x10  }
0x14a: {  	[tilespmem:s0+$0xFFFFFFB0] =	vst v50;
	v58 =	vshll.u32 v3, $0x10;
	v9 =	vmul.f32 v55, v2  }
0x14b: {  	[tilespmem:s0+$0xFFFFFFC0] =	vst v53;
	v60 =	vshll.u32 v4, $0x10;
	v59 =	vmul.f32 v58, v8  }
0x14c: {  	v5 =	vand.u32 $0xFFFF0000, v5;
	v0 =	vmul.f32 v60, v6;
	[tilespmem:s17+$0xFFFFFFD0] =	vst v9  }
0x14d: {  	v3 =	vand.u32 $0xFFFF0000, v3;
	v56 =	vmul.f32 v5, v2;
	[tilespmem:s17+$0xFFFFFFE0] =	vst v59  }
0x14e: {  	s5 =	sor.u32 $0x800, s5;
	v62 =	vand.u32 $0xFFFF0000, v4;
	v61 =	vmul.f32 v3, v8;
	[tilespmem:s17+$0xFFFFFFF0] =	vst v0  }
0x14f: {  	s12 =	sor.u32 s7, s5;
	v63 =	vmul.f32 v62, v6;
	[tilespmem:s0+$0xFFFFFFD0] =	vst v56  }
0x150: {  	s15 =	sor.u32 s9, s5;
	s6 =	sshrl.u32 s12, $0x3;
	[tilespmem:s0+$0xFFFFFFE0] =	vst v61  }
0x151: {  	s14 =	sadd.s32 s1, s6;
	[tilespmem:s0+$0xFFFFFFF0] =	vst v63;
	s0 =	sshrl.u32 s15, $0x3  }
0x152: {  	[hbm4b:s14+s3] =	stream.linear.scatter [tilespmem:s26], [sflag:$0x4], $0x800, $0x38;
	[tilespmem:$0x14000] =	vst v63  }
0x153: {  	s17 =	sor.u32 s10, s5;
	s0 =	sadd.s32 s1, s0  }
0x154: {  	[hbm4b:s0+s3] =	stream.linear.scatter [tilespmem:s28], [sflag:$0x4], $0x800, $0x38;
	[tilespmem:$0x14000] =	vst v63  }
0x155: {  	p0 =	seq.s32 s2, $0x3F;
	s0 =	sshrl.u32 s17, $0x3  }
.Ltmp7:
0x156: {  	s31 =	sor.u32 s11, s5;
	s0 =	sadd.s32 s1, s0;
	(pc) =	sbr.rel @p0 .LBB2_12-.Ltmp7, $4  }
0x157: {  	[hbm4b:s0+s3] =	stream.linear.scatter [tilespmem:s29], [sflag:$0x4], $0x800, $0x38;
	[tilespmem:$0x14000] =	vst v63  }
0x158: {  	s0 =	sshrl.u32 s31, $0x3  }
0x159: {  	s0 =	sadd.s32 s1, s0  }
0x15a: {  	[hbm4b:s0+s3] =	stream.linear.scatter [tilespmem:s30], [sflag:$0x4], $0x800, $0x38;
	[tilespmem:$0x14000] =	vst v63  }
.Ltmp8:
0x15b: {  	(pc) =	sbr.rel .LBB2_2-.Ltmp8, $3  }
0x15c: {  	_ =	sdelay $0x1  }
0x15d: {  	s0 =	sadd.s32 s4, s13;
	s2 =	sadd.s32 $0x1, s2  }
0x15e: {  	[tilespmem:s16], [sflag:$0x2] =	stream.linear.gather [hbm4b:s0+s3], $0x800, $0x38;
	[tilespmem:$0x14000] =	vst v63  }
.LBB2_13:
0x15f: {  	_ =	sfence.sel $0x180000  }
0x160: {  	[bflag:$0x0] =	sbarrier.arrive $0xFFFF  }
0x161: {  	_ =	strace $0x9000004A  }
0x162: {  	s0 =	stileid.u32;
	[bflag:$0x2] =	sbarrier.arrive $0xFFFF  }
0x163: {  	p0 =	sne.s32 s0, $0x0;
	s0 =	rddreg [dreg:$0x2]  }
0x164: {  	s0 =	sadd.s32 @!p0 $0x100000, s0  }
0x165: {  	[sflag:s0] =	ssyncadd.tile.s32 @!p0 $0x1;
	_ =	shalt  }
.Lfunc_end2:
_tile_overlayer_lowered:
.L_overlay_start_2:
0x166: {  	(tag) =	ssettag $0x2  }
0x167: {  	s0 =	rddreg [dreg:$0x0];
	s2 =	stileid.u32  }
0x168: {  	s1 =	rddreg [dreg:$0x1];
	p0 =	sne.s32 s2, $0x0  }
0x169: {  	s3 =	rddreg [dreg:$0x2];
	[bflag:$0x3] =	sbarrier.arrive $0xFFFF;
	s2 =	simm.s32 @!p0 $0x1C05  }
0x16a: {  	[timem:s3], [sflag:s2] =	dma.local @!p0 [hbm:s0], s1  }
0x16b: {  	s0 =	simm.s32 @!p0 $0x5  }
0x16c: {  	_ =	swait.ge @!p0 [sflag:s0], s1  }
0x16d: {  	s1 =	ssub.s32 @!p0 $0x0, s1;
	[sflag:s0] =	ssyncset.done @!p0 $0x0  }
0x16e: {  	[sflag:s0] =	ssyncadd.s32 @!p0 s1  }
0x16f: {  	[bflag:$0x3] =	sbarrier.arrive $0xFFFF  }
0x170: {  	_ =	shalt  }

</sc_bundles>
